<compile_context>
chip_gen: v7x
topology: tpu7x:2x2x1
jax: 0.10.2.dev20260603
libtpu: 0.0.44.dev20260713+nightly
codegen_flags: <defaults>
</compile_context>

<pallas_src>
import functools

import jax
import jax.numpy as jnp
from jax import lax
from jax.experimental import pallas as pl
from jax.experimental.pallas import tpu as pltpu
from jax.experimental.pallas import tpu_sc as plsc

N = 100000
D_IN = 128
D_HID = 64
N_MOL = 1024

LANES = 128
N_TILES = 16

TC_BLOCK = 8192
TC_ROWS = TC_BLOCK // LANES
TC_GRID = pl.cdiv(N, TC_BLOCK)
ROWS = TC_GRID * TC_ROWS
N_SLOT = ROWS * LANES

ROWS_PER_TILE = 48
MAIN_ATOMS = N_TILES * ROWS_PER_TILE * LANES
TAIL_ATOMS = N - MAIN_ATOMS
TAIL_HALF = TAIL_ATOMS // 2
MOLS_PER_TILE = N_MOL // N_TILES
COMB_MOLS = N_MOL // (N_TILES // 2)
SPREAD = 16


def _softplus(r):
    return jnp.log1p(jnp.exp(r))


def _mlp_body(x_ref, w1mu_ref, w1rho_ref, b1mu_ref, b1rho_ref,
              w2mu_ref, w2rho_ref, b2mu_ref, b2rho_ref,
              e1_ref, eb1_ref, e2_ref, eb2_ref,
              y_ref, kl_ref, w1_s, b1_s, w2_s, b2_s):
    step = pl.program_id(0)

    @pl.when(step == 0)
    def _init():
        w1_s[...] = w1mu_ref[...] + _softplus(w1rho_ref[...]) * e1_ref[...]
        b1_s[...] = jnp.reshape(
            b1mu_ref[...] + _softplus(b1rho_ref[...]) * eb1_ref[...], (D_HID, 1))
        s_w2 = _softplus(w2rho_ref[...])
        s_b2 = _softplus(b2rho_ref[...])
        w2_s[...] = jnp.reshape(w2mu_ref[...] + s_w2 * e2_ref[...], (D_HID, 1))
        b2_s[...] = b2mu_ref[...] + s_b2 * eb2_ref[...]
        kl_w = jnp.sum(-jnp.log(s_w2) + 0.5 * (s_w2 * s_w2 + w2mu_ref[...] ** 2) - 0.5)
        kl_b = jnp.sum(-jnp.log(s_b2) + 0.5 * (s_b2 * s_b2 + b2mu_ref[...] ** 2) - 0.5)
        kl_ref[...] = jnp.reshape(kl_w + kl_b, (1, 1))

    pre = lax.dot_general(w1_s[...], x_ref[...], (((1,), (1,)), ((), ())),
                          preferred_element_type=jnp.float32)
    pre = pre + b1_s[...]
    h = pre * jax.nn.sigmoid(pre)
    y = jnp.sum(h * w2_s[...], axis=0, keepdims=True) + b2_s[...]
    y2d = jnp.reshape(y, (TC_ROWS, LANES))
    gid = (step * TC_ROWS + lax.broadcasted_iota(jnp.int32, (TC_ROWS, LANES), 0)) * LANES \
        + lax.broadcasted_iota(jnp.int32, (TC_ROWS, LANES), 1)
    y_ref[...] = jnp.where(gid < N, y2d, 0.0)


def _run_mlp(x, *weights):
    full = lambda shape: pl.BlockSpec(shape, lambda i: (0, 0))
    return pl.pallas_call(
        _mlp_body,
        grid=(TC_GRID,),
        in_specs=[
            pl.BlockSpec((TC_BLOCK, D_IN), lambda i: (i, 0)),
            full((D_HID, D_IN)), full((D_HID, D_IN)),
            full((1, D_HID)), full((1, D_HID)),
            full((1, D_HID)), full((1, D_HID)),
            full((1, 1)), full((1, 1)),
            full((D_HID, D_IN)), full((1, D_HID)),
            full((1, D_HID)), full((1, 1)),
        ],
        out_specs=[
            pl.BlockSpec((TC_ROWS, LANES), lambda i: (i, 0)),
            pl.BlockSpec((1, 1), lambda i: (0, 0)),
        ],
        out_shape=[
            jax.ShapeDtypeStruct((ROWS, LANES), jnp.float32),
            jax.ShapeDtypeStruct((1, 1), jnp.float32),
        ],
        scratch_shapes=[
            pltpu.VMEM((D_HID, D_IN), jnp.float32),
            pltpu.VMEM((D_HID, 1), jnp.float32),
            pltpu.VMEM((D_HID, 1), jnp.float32),
            pltpu.VMEM((1, 1), jnp.float32),
        ],
    )(x, *weights)


def _scatter_chunk(y_v, idx_v, acc_sp, n_vec, unroll=8):
    if n_vec % unroll != 0:
        unroll = 1
    lane_off = lax.iota(jnp.int32, 16) & (SPREAD - 1)

    @plsc.parallel_loop(0, n_vec, unroll=unroll)
    def _body(v):
        off = v * 16
        i16 = idx_v[pl.ds(off, 16)]
        y16 = y_v[pl.ds(off, 16)]
        plsc.addupdate_scatter(acc_sp, [i16 * SPREAD + lane_off], y16)


def _seg_sum_body(y_hbm, idx_hbm, out_hbm,
                  y_v, idx_v, y_t, idx_t, acc_sp, acc_v, seg_v, stack_sh, sem):
    c = lax.axis_index("c")
    s = lax.axis_index("s")

    @pl.when(c == 0)
    def _():
        base = s * (ROWS_PER_TILE * LANES)
        cy = pltpu.async_copy(y_hbm.at[pl.ds(base, ROWS_PER_TILE * LANES)], y_v, sem)
        ci = pltpu.async_copy(idx_hbm.at[pl.ds(base, ROWS_PER_TILE * LANES)], idx_v, sem)

        @plsc.parallel_loop(0, SPREAD * N_MOL // 16, unroll=8)
        def _zero(i):
            acc_sp[pl.ds(i * 16, 16)] = jnp.zeros((16,), jnp.float32)

        cy.wait()
        ci.wait()
        _scatter_chunk(y_v, idx_v, acc_sp, ROWS_PER_TILE * LANES // 16)

        @pl.when(s >= N_TILES - 2)
        def _tail():
            tbase = MAIN_ATOMS + (s - (N_TILES - 2)) * TAIL_HALF
            ct_y = pltpu.async_copy(y_hbm.at[pl.ds(tbase, TAIL_HALF)], y_t, sem)
            ct_i = pltpu.async_copy(idx_hbm.at[pl.ds(tbase, TAIL_HALF)], idx_t, sem)
            ct_y.wait()
            ct_i.wait()
            _scatter_chunk(y_t, idx_t, acc_sp, TAIL_HALF // 16, unroll=1)

        stride16 = lax.iota(jnp.int32, 16) * SPREAD

        @plsc.parallel_loop(0, N_MOL // 16, unroll=4)
        def _merge(g):
            addr = stride16 + g * (16 * SPREAD)
            tot = plsc.load_gather(acc_sp, [addr])
            for j in range(1, SPREAD):
                tot = tot + plsc.load_gather(acc_sp, [addr + j])
            acc_v[pl.ds(g * 16, 16)] = tot

        pltpu.sync_copy(acc_v, stack_sh.at[s])
        plsc.subcore_barrier()

        @pl.when(s < N_TILES // 2)
        def _combine():
            pltpu.sync_copy(stack_sh.at[:, pl.ds(s * COMB_MOLS, COMB_MOLS)],
                            seg_v)
            for k in range(COMB_MOLS // 16):
                tot = jnp.zeros((16,), jnp.float32)
                for r in range(N_TILES):
                    tot = tot + seg_v[r, pl.ds(k * 16, 16)]
                acc_v[pl.ds(k * 16, 16)] = tot
            pltpu.sync_copy(acc_v.at[pl.ds(0, COMB_MOLS)],
                            out_hbm.at[pl.ds(s * COMB_MOLS, COMB_MOLS)])


def _run_seg_sum(y1d, idx_m):
    mesh = plsc.VectorSubcoreMesh(core_axis_name="c", subcore_axis_name="s",
                                  num_cores=2, num_subcores=N_TILES)
    f = pl.kernel(
        _seg_sum_body,
        out_type=jax.ShapeDtypeStruct((N_MOL,), jnp.float32),
        mesh=mesh,
        compiler_params=pltpu.CompilerParams(needs_layout_passes=False),
        scratch_types=[
            pltpu.VMEM((ROWS_PER_TILE * LANES,), jnp.float32),
            pltpu.VMEM((ROWS_PER_TILE * LANES,), jnp.int32),
            pltpu.VMEM((TAIL_HALF,), jnp.float32),
            pltpu.VMEM((TAIL_HALF,), jnp.int32),
            pltpu.VMEM((SPREAD * N_MOL,), jnp.float32),
            pltpu.VMEM((N_MOL,), jnp.float32),
            pltpu.VMEM((N_TILES, COMB_MOLS), jnp.float32),
            pltpu.VMEM_SHARED((N_TILES, N_MOL), jnp.float32),
            pltpu.SemaphoreType.DMA,
        ],
    )
    return f(y1d, idx_m)


def kernel(x, idx_m, w1_mu, w1_rho, b1_mu, b1_rho, w2_mu, w2_rho,
           b2_mu, b2_rho, eps_w1, eps_b1, eps_w2, eps_b2):
    y2, kl = _run_mlp(
        x,
        w1_mu, w1_rho,
        b1_mu.reshape(1, D_HID), b1_rho.reshape(1, D_HID),
        w2_mu.reshape(1, D_HID), w2_rho.reshape(1, D_HID),
        b2_mu.reshape(1, 1), b2_rho.reshape(1, 1),
        eps_w1, eps_b1.reshape(1, D_HID),
        eps_w2.reshape(1, D_HID), eps_b2.reshape(1, 1),
    )
    y1d = y2.reshape(N_SLOT)
    y_m = _run_seg_sum(y1d, idx_m)
    return (y_m, kl[0, 0])

# --- scband reference (transcript-rebuilt; emitter-appended) ---
"""Pipeline reference for scband-bnn-var-atomwise-31671088841015 (READ-ONLY COPY).

The authoritative reference and input builder live on the scoring server;
editing this copy changes nothing except your own understanding.
"""

import jax, jax.numpy as jnp
import numpy as np

N = 100000      # total atoms
D_IN = 128      # n_in
D_HID = 64      # pyramidal: n_in // 2 for n_layers=2
N_OUT = 1
N_MOL = 1024    # number of molecules (segments)


def setup_inputs(seed: int = 0) -> dict:
    key = jax.random.key(seed)
    ks = jax.random.split(key, 12)
    x = jax.random.normal(ks[0], (N, D_IN), dtype=jnp.float32)
    idx_m = jnp.sort(jax.random.randint(ks[1], (N,), 0, N_MOL)).astype(jnp.int32)
    # Bayesian (reparameterization) layer parameters: posterior mu and rho
    # prior N(0, 1), posterior_rho_init = -4.0
    w1_mu = jax.random.normal(ks[2], (D_HID, D_IN), dtype=jnp.float32) / np.sqrt(D_IN)
    w1_rho = jnp.full((D_HID, D_IN), -4.0, dtype=jnp.float32)
    b1_mu = jnp.zeros((D_HID,), dtype=jnp.float32)
    b1_rho = jnp.full((D_HID,), -4.0, dtype=jnp.float32)
    w2_mu = jax.random.normal(ks[3], (N_OUT, D_HID), dtype=jnp.float32) / np.sqrt(D_HID)
    w2_rho = jnp.full((N_OUT, D_HID), -4.0, dtype=jnp.float32)
    b2_mu = jnp.zeros((N_OUT,), dtype=jnp.float32)
    b2_rho = jnp.full((N_OUT,), -4.0, dtype=jnp.float32)
    # Fixed reparameterization noise (one MC sample, deterministic for testing)
    eps_w1 = jax.random.normal(ks[4], (D_HID, D_IN), dtype=jnp.float32)
    eps_b1 = jax.random.normal(ks[5], (D_HID,), dtype=jnp.float32)
    eps_w2 = jax.random.normal(ks[6], (N_OUT, D_HID), dtype=jnp.float32)
    eps_b2 = jax.random.normal(ks[7], (N_OUT,), dtype=jnp.float32)
    return {
        'x': x, 'idx_m': idx_m,
        'w1_mu': w1_mu, 'w1_rho': w1_rho, 'b1_mu': b1_mu, 'b1_rho': b1_rho,
        'w2_mu': w2_mu, 'w2_rho': w2_rho, 'b2_mu': b2_mu, 'b2_rho': b2_rho,
        'eps_w1': eps_w1, 'eps_b1': eps_b1, 'eps_w2': eps_w2, 'eps_b2': eps_b2,
    }


def _softplus(r):
    return jnp.log1p(jnp.exp(r))


def _kl_to_std_normal(mu, sigma):
    # KL( N(mu, sigma^2) || N(0, 1) ), summed over all params
    return jnp.sum(-jnp.log(sigma) + 0.5 * (sigma ** 2 + mu ** 2) - 0.5)


def reference(x, idx_m, w1_mu, w1_rho, b1_mu, b1_rho, w2_mu, w2_rho,
              b2_mu, b2_rho, eps_w1, eps_b1, eps_w2, eps_b2):
    # Hidden Bayesian linear (silu activation), reparameterization trick
    s_w1 = _softplus(w1_rho)
    s_b1 = _softplus(b1_rho)
    w1 = w1_mu + s_w1 * eps_w1
    b1 = b1_mu + s_b1 * eps_b1
    h = jax.nn.silu(x @ w1.T + b1)
    # Output Bayesian linear (no activation), returns KL of last layer
    s_w2 = _softplus(w2_rho)
    s_b2 = _softplus(b2_rho)
    w2 = w2_mu + s_w2 * eps_w2
    b2 = b2_mu + s_b2 * eps_b2
    y = h @ w2.T + b2  # [N, 1] per-atom contributions
    tot_kl = _kl_to_std_normal(w2_mu, s_w2) + _kl_to_std_normal(b2_mu, s_b2)
    # Segment reduce: scatter_add per-molecule, aggregation_mode='sum'
    y_m = jax.ops.segment_sum(y, idx_m, num_segments=N_MOL)
    y_m = jnp.squeeze(y_m, -1)
    return (y_m, tot_kl)

if __name__ == "__main__":
    import jax
    _d = setup_inputs()
    print(jax.jit(kernel)(*tuple(_d.values())))

</pallas_src>

<mosaic_0001>
#map = affine_map<(d0, d1) -> (0)>
module attributes {stable_mosaic.version = 14 : i64} {
  func.func @_seg_sum_body(%arg0: i32, %arg1: i32, %arg2: memref<106496xf32, #tpu.memory_space<hbm>>, %arg3: memref<100000xi32, #tpu.memory_space<hbm>>, %arg4: memref<1024xf32, #tpu.memory_space<hbm>>, %arg5: memref<6144xf32, #tpu.memory_space<vmem>>, %arg6: memref<6144xi32, #tpu.memory_space<vmem>>, %arg7: memref<848xf32, #tpu.memory_space<vmem>>, %arg8: memref<848xi32, #tpu.memory_space<vmem>>, %arg9: memref<16384xf32, #tpu.memory_space<vmem>>, %arg10: memref<1024xf32, #tpu.memory_space<vmem>>, %arg11: memref<16x128xf32, #tpu.memory_space<vmem>>, %arg12: memref<16x1024xf32, #tpu.memory_space<vmem_shared>>, %arg13: memref<!tpu.dma_semaphore, #tpu.memory_space<semaphore_mem>>) attributes {dimension_semantics = [#tpu.dimension_semantics<core_parallel>, #tpu.dimension_semantics<subcore_parallel>], iteration_bounds = array<i64: 2, 16>, scalar_prefetch = 0 : i64, scratch_operands = 9 : i64, tpu.core_type = #tpu.core_type<sc_vector_subcore>, window_params = [{transform_indices = #map}, {transform_indices = #map}, {transform_indices = #map}]} {
    %eq3A = arith.constant 0 : i32
    %eq3A_0 = arith.cmpi eq, %arg0, %eq3A : i32
    %convert_element_type3A = arith.extui %eq3A_0 : i1 to i32
    %cond3A = arith.constant 0 : i32
    %cond3A_1 = arith.cmpi ne, %convert_element_type3A, %cond3A : i32
    scf.if %cond3A_1 {
      %mul3A = arith.constant 6144 : i32
      %mul3A_2 = arith.muli %arg1, %mul3A : i32
      %dma_start3A = tpu.memref_slice %arg2[%mul3A_2] : memref<106496xf32, #tpu.memory_space<hbm>> -> memref<6144xf32, #tpu.memory_space<hbm>>
      %dma_start3A_3 = tpu.memref_slice %arg2[%mul3A_2] : memref<106496xf32, #tpu.memory_space<hbm>> -> memref<6144xf32, #tpu.memory_space<hbm>>
      tpu.enqueue_dma source(%dma_start3A_3 : memref<6144xf32, #tpu.memory_space<hbm>>) target(%arg5 : memref<6144xf32, #tpu.memory_space<vmem>>) target_semaphore(%arg13 : memref<!tpu.dma_semaphore, #tpu.memory_space<semaphore_mem>>)
      %dma_start3A_4 = tpu.memref_slice %arg3[%mul3A_2] : memref<100000xi32, #tpu.memory_space<hbm>> -> memref<6144xi32, #tpu.memory_space<hbm>>
      %dma_start3A_5 = tpu.memref_slice %arg3[%mul3A_2] : memref<100000xi32, #tpu.memory_space<hbm>> -> memref<6144xi32, #tpu.memory_space<hbm>>
      tpu.enqueue_dma source(%dma_start3A_5 : memref<6144xi32, #tpu.memory_space<hbm>>) target(%arg6 : memref<6144xi32, #tpu.memory_space<vmem>>) target_semaphore(%arg13 : memref<!tpu.dma_semaphore, #tpu.memory_space<semaphore_mem>>)
      %parallel_loop3A = arith.constant 0 : i32
      %parallel_loop3A_6 = arith.constant 1024 : i32
      %parallel_loop3A_7 = arith.constant 1 : i32
      scf.for %parallel_loop3A_31 = %parallel_loop3A to %parallel_loop3A_6 step %parallel_loop3A_7  : i32 {
        %parallel_loop3A_32 = arith.constant 0.000000e+00 : f32
        %parallel_loop3A_33 = vector.broadcast %parallel_loop3A_32 : f32 to vector<16xf32>
        %parallel_loop3A_34 = arith.constant 16 : i32
        %parallel_loop3A_35 = arith.muli %parallel_loop3A_31, %parallel_loop3A_34 : i32
        %parallel_loop3A_36 = arith.index_cast %parallel_loop3A_35 : i32 to index
        %parallel_loop3A_37 = tpu.vector_load %arg9[%parallel_loop3A_36] {strides = array<i32>} : memref<16384xf32, #tpu.memory_space<vmem>>, vector<16xf32>,
        tpu.vector_store %arg9[%parallel_loop3A_36], %parallel_loop3A_33 {strides = array<i32>} : memref<16384xf32, #tpu.memory_space<vmem>>, vector<16xf32>,
      } {sc.loop_unroll_factor = 8 : i64, sc.parallel_access}
      %dma_wait3A = tpu.memref_slice %arg2[%mul3A_2] : memref<106496xf32, #tpu.memory_space<hbm>> -> memref<6144xf32, #tpu.memory_space<hbm>>
      %dma_wait3A_8 = tpu.memref_slice %arg2[%mul3A_2] : memref<106496xf32, #tpu.memory_space<hbm>> -> memref<6144xf32, #tpu.memory_space<hbm>>
      tpu.wait_dma2 semaphore(%arg13 : memref<!tpu.dma_semaphore, #tpu.memory_space<semaphore_mem>>) src(%dma_wait3A_8 : memref<6144xf32, #tpu.memory_space<hbm>>) dst(%arg5 : memref<6144xf32, #tpu.memory_space<vmem>>)
      %dma_wait3A_9 = tpu.memref_slice %arg3[%mul3A_2] : memref<100000xi32, #tpu.memory_space<hbm>> -> memref<6144xi32, #tpu.memory_space<hbm>>
      %dma_wait3A_10 = tpu.memref_slice %arg3[%mul3A_2] : memref<100000xi32, #tpu.memory_space<hbm>> -> memref<6144xi32, #tpu.memory_space<hbm>>
      tpu.wait_dma2 semaphore(%arg13 : memref<!tpu.dma_semaphore, #tpu.memory_space<semaphore_mem>>) src(%dma_wait3A_10 : memref<6144xi32, #tpu.memory_space<hbm>>) dst(%arg6 : memref<6144xi32, #tpu.memory_space<vmem>>)
      %iota3A = tpu.iota {dimensions = array<i32: 0>} : vector<16xi32>
      %and3A = arith.constant 15 : i32
      %and3A_11 = vector.broadcast %and3A : i32 to vector<16xi32>
      %and3A_12 = arith.andi %iota3A, %and3A_11 : vector<16xi32>
      %parallel_loop3A_13 = arith.constant 0 : i32
      %parallel_loop3A_14 = arith.constant 384 : i32
      %parallel_loop3A_15 = arith.constant 1 : i32
      scf.for %parallel_loop3A_31 = %parallel_loop3A_13 to %parallel_loop3A_14 step %parallel_loop3A_15  : i32 {
        %parallel_loop3A_32 = arith.constant 16 : i32
        %parallel_loop3A_33 = arith.muli %parallel_loop3A_31, %parallel_loop3A_32 : i32
        %parallel_loop3A_34 = arith.index_cast %parallel_loop3A_33 : i32 to index
        %parallel_loop3A_35 = tpu.vector_load %arg6[%parallel_loop3A_34] {strides = array<i32>} : memref<6144xi32, #tpu.memory_space<vmem>>, vector<16xi32>,
        %parallel_loop3A_36 = arith.index_cast %parallel_loop3A_33 : i32 to index
        %parallel_loop3A_37 = tpu.vector_load %arg5[%parallel_loop3A_36] {strides = array<i32>} : memref<6144xf32, #tpu.memory_space<vmem>>, vector<16xf32>,
        %parallel_loop3A_38 = arith.constant 16 : i32
        %parallel_loop3A_39 = vector.broadcast %parallel_loop3A_38 : i32 to vector<16xi32>
        %parallel_loop3A_40 = arith.muli %parallel_loop3A_35, %parallel_loop3A_39 : vector<16xi32>
        %parallel_loop3A_41 = arith.addi %parallel_loop3A_40, %and3A_12 : vector<16xi32>
        tpu.vector_store_idx %arg9[%parallel_loop3A_41], %parallel_loop3A_37 {add = true} : memref<16384xf32, #tpu.memory_space<vmem>>[vector<16xi32>], vector<16xf32>,
      } {sc.loop_unroll_factor = 8 : i64, sc.parallel_access}
      %ge3A = arith.constant 14 : i32
      %ge3A_16 = arith.cmpi sge, %arg1, %ge3A : i32
      %convert_element_type3A_17 = arith.extui %ge3A_16 : i1 to i32
      %cond3A_18 = arith.constant 0 : i32
      %cond3A_19 = arith.cmpi ne, %convert_element_type3A_17, %cond3A_18 : i32
      scf.if %cond3A_19 {
        %sub3A = arith.constant 14 : i32
        %sub3A_31 = arith.subi %arg1, %sub3A : i32
        %mul3A_32 = arith.constant 848 : i32
        %mul3A_33 = arith.muli %sub3A_31, %mul3A_32 : i32
        %add3A = arith.constant 98304 : i32
        %add3A_34 = arith.addi %add3A, %mul3A_33 : i32
        %dma_start3A_35 = tpu.memref_slice %arg2[%add3A_34] : memref<106496xf32, #tpu.memory_space<hbm>> -> memref<848xf32, #tpu.memory_space<hbm>>
        %dma_start3A_36 = tpu.memref_slice %arg2[%add3A_34] : memref<106496xf32, #tpu.memory_space<hbm>> -> memref<848xf32, #tpu.memory_space<hbm>>
        tpu.enqueue_dma source(%dma_start3A_36 : memref<848xf32, #tpu.memory_space<hbm>>) target(%arg7 : memref<848xf32, #tpu.memory_space<vmem>>) target_semaphore(%arg13 : memref<!tpu.dma_semaphore, #tpu.memory_space<semaphore_mem>>)
        %dma_start3A_37 = tpu.memref_slice %arg3[%add3A_34] : memref<100000xi32, #tpu.memory_space<hbm>> -> memref<848xi32, #tpu.memory_space<hbm>>
        %dma_start3A_38 = tpu.memref_slice %arg3[%add3A_34] : memref<100000xi32, #tpu.memory_space<hbm>> -> memref<848xi32, #tpu.memory_space<hbm>>
        tpu.enqueue_dma source(%dma_start3A_38 : memref<848xi32, #tpu.memory_space<hbm>>) target(%arg8 : memref<848xi32, #tpu.memory_space<vmem>>) target_semaphore(%arg13 : memref<!tpu.dma_semaphore, #tpu.memory_space<semaphore_mem>>)
        %dma_wait3A_39 = tpu.memref_slice %arg2[%add3A_34] : memref<106496xf32, #tpu.memory_space<hbm>> -> memref<848xf32, #tpu.memory_space<hbm>>
        %dma_wait3A_40 = tpu.memref_slice %arg2[%add3A_34] : memref<106496xf32, #tpu.memory_space<hbm>> -> memref<848xf32, #tpu.memory_space<hbm>>
        tpu.wait_dma2 semaphore(%arg13 : memref<!tpu.dma_semaphore, #tpu.memory_space<semaphore_mem>>) src(%dma_wait3A_40 : memref<848xf32, #tpu.memory_space<hbm>>) dst(%arg7 : memref<848xf32, #tpu.memory_space<vmem>>)
        %dma_wait3A_41 = tpu.memref_slice %arg3[%add3A_34] : memref<100000xi32, #tpu.memory_space<hbm>> -> memref<848xi32, #tpu.memory_space<hbm>>
        %dma_wait3A_42 = tpu.memref_slice %arg3[%add3A_34] : memref<100000xi32, #tpu.memory_space<hbm>> -> memref<848xi32, #tpu.memory_space<hbm>>
        tpu.wait_dma2 semaphore(%arg13 : memref<!tpu.dma_semaphore, #tpu.memory_space<semaphore_mem>>) src(%dma_wait3A_42 : memref<848xi32, #tpu.memory_space<hbm>>) dst(%arg8 : memref<848xi32, #tpu.memory_space<vmem>>)
        %iota3A_43 = tpu.iota {dimensions = array<i32: 0>} : vector<16xi32>
        %and3A_44 = arith.constant 15 : i32
        %and3A_45 = vector.broadcast %and3A_44 : i32 to vector<16xi32>
        %and3A_46 = arith.andi %iota3A_43, %and3A_45 : vector<16xi32>
        %parallel_loop3A_47 = arith.constant 0 : i32
        %parallel_loop3A_48 = arith.constant 53 : i32
        %parallel_loop3A_49 = arith.constant 1 : i32
        scf.for %parallel_loop3A_50 = %parallel_loop3A_47 to %parallel_loop3A_48 step %parallel_loop3A_49  : i32 {
          %parallel_loop3A_51 = arith.constant 16 : i32
          %parallel_loop3A_52 = arith.muli %parallel_loop3A_50, %parallel_loop3A_51 : i32
          %parallel_loop3A_53 = arith.index_cast %parallel_loop3A_52 : i32 to index
          %parallel_loop3A_54 = tpu.vector_load %arg8[%parallel_loop3A_53] {strides = array<i32>} : memref<848xi32, #tpu.memory_space<vmem>>, vector<16xi32>,
          %parallel_loop3A_55 = arith.index_cast %parallel_loop3A_52 : i32 to index
          %parallel_loop3A_56 = tpu.vector_load %arg7[%parallel_loop3A_55] {strides = array<i32>} : memref<848xf32, #tpu.memory_space<vmem>>, vector<16xf32>,
          %parallel_loop3A_57 = arith.constant 16 : i32
          %parallel_loop3A_58 = vector.broadcast %parallel_loop3A_57 : i32 to vector<16xi32>
          %parallel_loop3A_59 = arith.muli %parallel_loop3A_54, %parallel_loop3A_58 : vector<16xi32>
          %parallel_loop3A_60 = arith.addi %parallel_loop3A_59, %and3A_46 : vector<16xi32>
          tpu.vector_store_idx %arg9[%parallel_loop3A_60], %parallel_loop3A_56 {add = true} : memref<16384xf32, #tpu.memory_space<vmem>>[vector<16xi32>], vector<16xf32>,
        } {sc.loop_unroll_factor = 1 : i64, sc.parallel_access}
      } else {
      }
      %iota3A_20 = tpu.iota {dimensions = array<i32: 0>} : vector<16xi32>
      %mul3A_21 = arith.constant 16 : i32
      %mul3A_22 = vector.broadcast %mul3A_21 : i32 to vector<16xi32>
      %mul3A_23 = arith.muli %iota3A_20, %mul3A_22 : vector<16xi32>
      %parallel_loop3A_24 = arith.constant 0 : i32
      %parallel_loop3A_25 = arith.constant 64 : i32
      %parallel_loop3A_26 = arith.constant 1 : i32
      scf.for %parallel_loop3A_31 = %parallel_loop3A_24 to %parallel_loop3A_25 step %parallel_loop3A_26  : i32 {
        %parallel_loop3A_32 = arith.constant 256 : i32
        %parallel_loop3A_33 = arith.muli %parallel_loop3A_31, %parallel_loop3A_32 : i32
        %parallel_loop3A_34 = vector.broadcast %parallel_loop3A_33 : i32 to vector<16xi32>
        %parallel_loop3A_35 = arith.addi %mul3A_23, %parallel_loop3A_34 : vector<16xi32>
        %parallel_loop3A_36 = tpu.vector_load_idx %arg9[%parallel_loop3A_35] : memref<16384xf32, #tpu.memory_space<vmem>>[vector<16xi32>], vector<16xf32>,
        %parallel_loop3A_37 = arith.constant 1 : i32
        %parallel_loop3A_38 = vector.broadcast %parallel_loop3A_37 : i32 to vector<16xi32>
        %parallel_loop3A_39 = arith.addi %parallel_loop3A_35, %parallel_loop3A_38 : vector<16xi32>
        %parallel_loop3A_40 = tpu.vector_load_idx %arg9[%parallel_loop3A_39] : memref<16384xf32, #tpu.memory_space<vmem>>[vector<16xi32>], vector<16xf32>,
        %parallel_loop3A_41 = arith.addf %parallel_loop3A_36, %parallel_loop3A_40 : vector<16xf32>
        %parallel_loop3A_42 = arith.constant 2 : i32
        %parallel_loop3A_43 = vector.broadcast %parallel_loop3A_42 : i32 to vector<16xi32>
        %parallel_loop3A_44 = arith.addi %parallel_loop3A_35, %parallel_loop3A_43 : vector<16xi32>
        %parallel_loop3A_45 = tpu.vector_load_idx %arg9[%parallel_loop3A_44] : memref<16384xf32, #tpu.memory_space<vmem>>[vector<16xi32>], vector<16xf32>,
        %parallel_loop3A_46 = arith.addf %parallel_loop3A_41, %parallel_loop3A_45 : vector<16xf32>
        %parallel_loop3A_47 = arith.constant 3 : i32
        %parallel_loop3A_48 = vector.broadcast %parallel_loop3A_47 : i32 to vector<16xi32>
        %parallel_loop3A_49 = arith.addi %parallel_loop3A_35, %parallel_loop3A_48 : vector<16xi32>
        %parallel_loop3A_50 = tpu.vector_load_idx %arg9[%parallel_loop3A_49] : memref<16384xf32, #tpu.memory_space<vmem>>[vector<16xi32>], vector<16xf32>,
        %parallel_loop3A_51 = arith.addf %parallel_loop3A_46, %parallel_loop3A_50 : vector<16xf32>
        %parallel_loop3A_52 = arith.constant 4 : i32
        %parallel_loop3A_53 = vector.broadcast %parallel_loop3A_52 : i32 to vector<16xi32>
        %parallel_loop3A_54 = arith.addi %parallel_loop3A_35, %parallel_loop3A_53 : vector<16xi32>
        %parallel_loop3A_55 = tpu.vector_load_idx %arg9[%parallel_loop3A_54] : memref<16384xf32, #tpu.memory_space<vmem>>[vector<16xi32>], vector<16xf32>,
        %parallel_loop3A_56 = arith.addf %parallel_loop3A_51, %parallel_loop3A_55 : vector<16xf32>
        %parallel_loop3A_57 = arith.constant 5 : i32
        %parallel_loop3A_58 = vector.broadcast %parallel_loop3A_57 : i32 to vector<16xi32>
        %parallel_loop3A_59 = arith.addi %parallel_loop3A_35, %parallel_loop3A_58 : vector<16xi32>
        %parallel_loop3A_60 = tpu.vector_load_idx %arg9[%parallel_loop3A_59] : memref<16384xf32, #tpu.memory_space<vmem>>[vector<16xi32>], vector<16xf32>,
        %parallel_loop3A_61 = arith.addf %parallel_loop3A_56, %parallel_loop3A_60 : vector<16xf32>
        %parallel_loop3A_62 = arith.constant 6 : i32
        %parallel_loop3A_63 = vector.broadcast %parallel_loop3A_62 : i32 to vector<16xi32>
        %parallel_loop3A_64 = arith.addi %parallel_loop3A_35, %parallel_loop3A_63 : vector<16xi32>
        %parallel_loop3A_65 = tpu.vector_load_idx %arg9[%parallel_loop3A_64] : memref<16384xf32, #tpu.memory_space<vmem>>[vector<16xi32>], vector<16xf32>,
        %parallel_loop3A_66 = arith.addf %parallel_loop3A_61, %parallel_loop3A_65 : vector<16xf32>
        %parallel_loop3A_67 = arith.constant 7 : i32
        %parallel_loop3A_68 = vector.broadcast %parallel_loop3A_67 : i32 to vector<16xi32>
        %parallel_loop3A_69 = arith.addi %parallel_loop3A_35, %parallel_loop3A_68 : vector<16xi32>
        %parallel_loop3A_70 = tpu.vector_load_idx %arg9[%parallel_loop3A_69] : memref<16384xf32, #tpu.memory_space<vmem>>[vector<16xi32>], vector<16xf32>,
        %parallel_loop3A_71 = arith.addf %parallel_loop3A_66, %parallel_loop3A_70 : vector<16xf32>
        %parallel_loop3A_72 = arith.constant 8 : i32
        %parallel_loop3A_73 = vector.broadcast %parallel_loop3A_72 : i32 to vector<16xi32>
        %parallel_loop3A_74 = arith.addi %parallel_loop3A_35, %parallel_loop3A_73 : vector<16xi32>
        %parallel_loop3A_75 = tpu.vector_load_idx %arg9[%parallel_loop3A_74] : memref<16384xf32, #tpu.memory_space<vmem>>[vector<16xi32>], vector<16xf32>,
        %parallel_loop3A_76 = arith.addf %parallel_loop3A_71, %parallel_loop3A_75 : vector<16xf32>
        %parallel_loop3A_77 = arith.constant 9 : i32
        %parallel_loop3A_78 = vector.broadcast %parallel_loop3A_77 : i32 to vector<16xi32>
        %parallel_loop3A_79 = arith.addi %parallel_loop3A_35, %parallel_loop3A_78 : vector<16xi32>
        %parallel_loop3A_80 = tpu.vector_load_idx %arg9[%parallel_loop3A_79] : memref<16384xf32, #tpu.memory_space<vmem>>[vector<16xi32>], vector<16xf32>,
        %parallel_loop3A_81 = arith.addf %parallel_loop3A_76, %parallel_loop3A_80 : vector<16xf32>
        %parallel_loop3A_82 = arith.constant 10 : i32
        %parallel_loop3A_83 = vector.broadcast %parallel_loop3A_82 : i32 to vector<16xi32>
        %parallel_loop3A_84 = arith.addi %parallel_loop3A_35, %parallel_loop3A_83 : vector<16xi32>
        %parallel_loop3A_85 = tpu.vector_load_idx %arg9[%parallel_loop3A_84] : memref<16384xf32, #tpu.memory_space<vmem>>[vector<16xi32>], vector<16xf32>,
        %parallel_loop3A_86 = arith.addf %parallel_loop3A_81, %parallel_loop3A_85 : vector<16xf32>
        %parallel_loop3A_87 = arith.constant 11 : i32
        %parallel_loop3A_88 = vector.broadcast %parallel_loop3A_87 : i32 to vector<16xi32>
        %parallel_loop3A_89 = arith.addi %parallel_loop3A_35, %parallel_loop3A_88 : vector<16xi32>
        %parallel_loop3A_90 = tpu.vector_load_idx %arg9[%parallel_loop3A_89] : memref<16384xf32, #tpu.memory_space<vmem>>[vector<16xi32>], vector<16xf32>,
        %parallel_loop3A_91 = arith.addf %parallel_loop3A_86, %parallel_loop3A_90 : vector<16xf32>
        %parallel_loop3A_92 = arith.constant 12 : i32
        %parallel_loop3A_93 = vector.broadcast %parallel_loop3A_92 : i32 to vector<16xi32>
        %parallel_loop3A_94 = arith.addi %parallel_loop3A_35, %parallel_loop3A_93 : vector<16xi32>
        %parallel_loop3A_95 = tpu.vector_load_idx %arg9[%parallel_loop3A_94] : memref<16384xf32, #tpu.memory_space<vmem>>[vector<16xi32>], vector<16xf32>,
        %parallel_loop3A_96 = arith.addf %parallel_loop3A_91, %parallel_loop3A_95 : vector<16xf32>
        %parallel_loop3A_97 = arith.constant 13 : i32
        %parallel_loop3A_98 = vector.broadcast %parallel_loop3A_97 : i32 to vector<16xi32>
        %parallel_loop3A_99 = arith.addi %parallel_loop3A_35, %parallel_loop3A_98 : vector<16xi32>
        %parallel_loop3A_100 = tpu.vector_load_idx %arg9[%parallel_loop3A_99] : memref<16384xf32, #tpu.memory_space<vmem>>[vector<16xi32>], vector<16xf32>,
        %parallel_loop3A_101 = arith.addf %parallel_loop3A_96, %parallel_loop3A_100 : vector<16xf32>
        %parallel_loop3A_102 = arith.constant 14 : i32
        %parallel_loop3A_103 = vector.broadcast %parallel_loop3A_102 : i32 to vector<16xi32>
        %parallel_loop3A_104 = arith.addi %parallel_loop3A_35, %parallel_loop3A_103 : vector<16xi32>
        %parallel_loop3A_105 = tpu.vector_load_idx %arg9[%parallel_loop3A_104] : memref<16384xf32, #tpu.memory_space<vmem>>[vector<16xi32>], vector<16xf32>,
        %parallel_loop3A_106 = arith.addf %parallel_loop3A_101, %parallel_loop3A_105 : vector<16xf32>
        %parallel_loop3A_107 = arith.constant 15 : i32
        %parallel_loop3A_108 = vector.broadcast %parallel_loop3A_107 : i32 to vector<16xi32>
        %parallel_loop3A_109 = arith.addi %parallel_loop3A_35, %parallel_loop3A_108 : vector<16xi32>
        %parallel_loop3A_110 = tpu.vector_load_idx %arg9[%parallel_loop3A_109] : memref<16384xf32, #tpu.memory_space<vmem>>[vector<16xi32>], vector<16xf32>,
        %parallel_loop3A_111 = arith.addf %parallel_loop3A_106, %parallel_loop3A_110 : vector<16xf32>
        %parallel_loop3A_112 = arith.constant 16 : i32
        %parallel_loop3A_113 = arith.muli %parallel_loop3A_31, %parallel_loop3A_112 : i32
        %parallel_loop3A_114 = arith.index_cast %parallel_loop3A_113 : i32 to index
        %parallel_loop3A_115 = tpu.vector_load %arg10[%parallel_loop3A_114] {strides = array<i32>} : memref<1024xf32, #tpu.memory_space<vmem>>, vector<16xf32>,
        tpu.vector_store %arg10[%parallel_loop3A_114], %parallel_loop3A_111 {strides = array<i32>} : memref<1024xf32, #tpu.memory_space<vmem>>, vector<16xf32>,
      } {sc.loop_unroll_factor = 4 : i64, sc.parallel_access}
      "tpu.region"() ({
        %run_scoped3A = tpu.sem_alloc : memref<!tpu.dma_semaphore, #tpu.memory_space<semaphore_mem>>
        %dma_start3A_31 = arith.constant 0 : i32
        %dma_start3A_32 = tpu.memref_slice %arg12[%arg1, %dma_start3A_31] : memref<16x1024xf32, #tpu.memory_space<vmem_shared>> -> memref<1x1024xf32, #tpu.memory_space<vmem_shared>>
        %dma_start3A_33 = tpu.memref_squeeze %dma_start3A_32 : memref<1x1024xf32, #tpu.memory_space<vmem_shared>> -> memref<1024xf32, #tpu.memory_space<vmem_shared>>
        %dma_start3A_34 = arith.constant 0 : i32
        %dma_start3A_35 = tpu.memref_slice %arg12[%arg1, %dma_start3A_34] : memref<16x1024xf32, #tpu.memory_space<vmem_shared>> -> memref<1x1024xf32, #tpu.memory_space<vmem_shared>>
        %dma_start3A_36 = tpu.memref_squeeze %dma_start3A_35 : memref<1x1024xf32, #tpu.memory_space<vmem_shared>> -> memref<1024xf32, #tpu.memory_space<vmem_shared>>
        tpu.enqueue_dma source(%arg10 : memref<1024xf32, #tpu.memory_space<vmem>>) target(%dma_start3A_36 : memref<1024xf32, #tpu.memory_space<vmem_shared>>) target_semaphore(%run_scoped3A : memref<!tpu.dma_semaphore, #tpu.memory_space<semaphore_mem>>)
        %dma_wait3A_37 = arith.constant 0 : i32
        %dma_wait3A_38 = tpu.memref_slice %arg12[%arg1, %dma_wait3A_37] : memref<16x1024xf32, #tpu.memory_space<vmem_shared>> -> memref<1x1024xf32, #tpu.memory_space<vmem_shared>>
        %dma_wait3A_39 = tpu.memref_squeeze %dma_wait3A_38 : memref<1x1024xf32, #tpu.memory_space<vmem_shared>> -> memref<1024xf32, #tpu.memory_space<vmem_shared>>
        %dma_wait3A_40 = arith.constant 0 : i32
        %dma_wait3A_41 = tpu.memref_slice %arg12[%arg1, %dma_wait3A_40] : memref<16x1024xf32, #tpu.memory_space<vmem_shared>> -> memref<1x1024xf32, #tpu.memory_space<vmem_shared>>
        %dma_wait3A_42 = tpu.memref_squeeze %dma_wait3A_41 : memref<1x1024xf32, #tpu.memory_space<vmem_shared>> -> memref<1024xf32, #tpu.memory_space<vmem_shared>>
        tpu.wait_dma2 semaphore(%run_scoped3A : memref<!tpu.dma_semaphore, #tpu.memory_space<semaphore_mem>>) src(%arg10 : memref<1024xf32, #tpu.memory_space<vmem>>) dst(%dma_wait3A_42 : memref<1024xf32, #tpu.memory_space<vmem_shared>>)
        tpu.yield
      }) : () -> ()
      %barrier3A = arith.constant 0 : index
      tpu.barrier barrier_id(%barrier3A)
      %lt3A = arith.constant 8 : i32
      %lt3A_27 = arith.cmpi slt, %arg1, %lt3A : i32
      %convert_element_type3A_28 = arith.extui %lt3A_27 : i1 to i32
      %cond3A_29 = arith.constant 0 : i32
      %cond3A_30 = arith.cmpi ne, %convert_element_type3A_28, %cond3A_29 : i32
      scf.if %cond3A_30 {
        %mul3A_31 = arith.constant 128 : i32
        %mul3A_32 = arith.muli %arg1, %mul3A_31 : i32
        "tpu.region"() ({
          %run_scoped3A = tpu.sem_alloc : memref<!tpu.dma_semaphore, #tpu.memory_space<semaphore_mem>>
          %dma_start3A_703 = arith.constant 0 : i32
          %dma_start3A_704 = tpu.memref_slice %arg12[%dma_start3A_703, %mul3A_32] : memref<16x1024xf32, #tpu.memory_space<vmem_shared>> -> memref<16x128xf32, #tpu.memory_space<vmem_shared>>
          %dma_start3A_705 = arith.constant 0 : i32
          %dma_start3A_706 = tpu.memref_slice %arg12[%dma_start3A_705, %mul3A_32] : memref<16x1024xf32, #tpu.memory_space<vmem_shared>> -> memref<16x128xf32, #tpu.memory_space<vmem_shared>>
          tpu.enqueue_dma source(%dma_start3A_706 : memref<16x128xf32, #tpu.memory_space<vmem_shared>>) target(%arg11 : memref<16x128xf32, #tpu.memory_space<vmem>>) target_semaphore(%run_scoped3A : memref<!tpu.dma_semaphore, #tpu.memory_space<semaphore_mem>>)
          %dma_wait3A_707 = arith.constant 0 : i32
          %dma_wait3A_708 = tpu.memref_slice %arg12[%dma_wait3A_707, %mul3A_32] : memref<16x1024xf32, #tpu.memory_space<vmem_shared>> -> memref<16x128xf32, #tpu.memory_space<vmem_shared>>
          %dma_wait3A_709 = arith.constant 0 : i32
          %dma_wait3A_710 = tpu.memref_slice %arg12[%dma_wait3A_709, %mul3A_32] : memref<16x1024xf32, #tpu.memory_space<vmem_shared>> -> memref<16x128xf32, #tpu.memory_space<vmem_shared>>
          tpu.wait_dma2 semaphore(%run_scoped3A : memref<!tpu.dma_semaphore, #tpu.memory_space<semaphore_mem>>) src(%dma_wait3A_710 : memref<16x128xf32, #tpu.memory_space<vmem_shared>>) dst(%arg11 : memref<16x128xf32, #tpu.memory_space<vmem>>)
          tpu.yield
        }) : () -> ()
        %broadcast_in_dim3A = arith.constant 0.000000e+00 : f32
        %broadcast_in_dim3A_33 = vector.broadcast %broadcast_in_dim3A : f32 to vector<16xf32>
        %get3A = arith.constant 0 : i32
        %get3A_34 = arith.index_cast %get3A : i32 to index
        %get3A_35 = arith.constant 0 : index
        %get3A_36 = tpu.vector_load %arg11[%get3A_34, %get3A_35] {strides = array<i32>} : memref<16x128xf32, #tpu.memory_space<vmem>>, vector<16xf32>,
        %add3A = arith.addf %broadcast_in_dim3A_33, %get3A_36 : vector<16xf32>
        %get3A_37 = arith.constant 1 : i32
        %get3A_38 = arith.index_cast %get3A_37 : i32 to index
        %get3A_39 = arith.constant 0 : index
        %get3A_40 = tpu.vector_load %arg11[%get3A_38, %get3A_39] {strides = array<i32>} : memref<16x128xf32, #tpu.memory_space<vmem>>, vector<16xf32>,
        %add3A_41 = arith.addf %add3A, %get3A_40 : vector<16xf32>
        %get3A_42 = arith.constant 2 : i32
        %get3A_43 = arith.index_cast %get3A_42 : i32 to index
        %get3A_44 = arith.constant 0 : index
        %get3A_45 = tpu.vector_load %arg11[%get3A_43, %get3A_44] {strides = array<i32>} : memref<16x128xf32, #tpu.memory_space<vmem>>, vector<16xf32>,
        %add3A_46 = arith.addf %add3A_41, %get3A_45 : vector<16xf32>
        %get3A_47 = arith.constant 3 : i32
        %get3A_48 = arith.index_cast %get3A_47 : i32 to index
        %get3A_49 = arith.constant 0 : index
        %get3A_50 = tpu.vector_load %arg11[%get3A_48, %get3A_49] {strides = array<i32>} : memref<16x128xf32, #tpu.memory_space<vmem>>, vector<16xf32>,
        %add3A_51 = arith.addf %add3A_46, %get3A_50 : vector<16xf32>
        %get3A_52 = arith.constant 4 : i32
        %get3A_53 = arith.index_cast %get3A_52 : i32 to index
        %get3A_54 = arith.constant 0 : index
        %get3A_55 = tpu.vector_load %arg11[%get3A_53, %get3A_54] {strides = array<i32>} : memref<16x128xf32, #tpu.memory_space<vmem>>, vector<16xf32>,
        %add3A_56 = arith.addf %add3A_51, %get3A_55 : vector<16xf32>
        %get3A_57 = arith.constant 5 : i32
        %get3A_58 = arith.index_cast %get3A_57 : i32 to index
        %get3A_59 = arith.constant 0 : index
        %get3A_60 = tpu.vector_load %arg11[%get3A_58, %get3A_59] {strides = array<i32>} : memref<16x128xf32, #tpu.memory_space<vmem>>, vector<16xf32>,
        %add3A_61 = arith.addf %add3A_56, %get3A_60 : vector<16xf32>
        %get3A_62 = arith.constant 6 : i32
        %get3A_63 = arith.index_cast %get3A_62 : i32 to index
        %get3A_64 = arith.constant 0 : index
        %get3A_65 = tpu.vector_load %arg11[%get3A_63, %get3A_64] {strides = array<i32>} : memref<16x128xf32, #tpu.memory_space<vmem>>, vector<16xf32>,
        %add3A_66 = arith.addf %add3A_61, %get3A_65 : vector<16xf32>
        %get3A_67 = arith.constant 7 : i32
        %get3A_68 = arith.index_cast %get3A_67 : i32 to index
        %get3A_69 = arith.constant 0 : index
        %get3A_70 = tpu.vector_load %arg11[%get3A_68, %get3A_69] {strides = array<i32>} : memref<16x128xf32, #tpu.memory_space<vmem>>, vector<16xf32>,
        %add3A_71 = arith.addf %add3A_66, %get3A_70 : vector<16xf32>
        %get3A_72 = arith.constant 8 : i32
        %get3A_73 = arith.index_cast %get3A_72 : i32 to index
        %get3A_74 = arith.constant 0 : index
        %get3A_75 = tpu.vector_load %arg11[%get3A_73, %get3A_74] {strides = array<i32>} : memref<16x128xf32, #tpu.memory_space<vmem>>, vector<16xf32>,
        %add3A_76 = arith.addf %add3A_71, %get3A_75 : vector<16xf32>
        %get3A_77 = arith.constant 9 : i32
        %get3A_78 = arith.index_cast %get3A_77 : i32 to index
        %get3A_79 = arith.constant 0 : index
        %get3A_80 = tpu.vector_load %arg11[%get3A_78, %get3A_79] {strides = array<i32>} : memref<16x128xf32, #tpu.memory_space<vmem>>, vector<16xf32>,
        %add3A_81 = arith.addf %add3A_76, %get3A_80 : vector<16xf32>
        %get3A_82 = arith.constant 10 : i32
        %get3A_83 = arith.index_cast %get3A_82 : i32 to index
        %get3A_84 = arith.constant 0 : index
        %get3A_85 = tpu.vector_load %arg11[%get3A_83, %get3A_84] {strides = array<i32>} : memref<16x128xf32, #tpu.memory_space<vmem>>, vector<16xf32>,
        %add3A_86 = arith.addf %add3A_81, %get3A_85 : vector<16xf32>
        %get3A_87 = arith.constant 11 : i32
        %get3A_88 = arith.index_cast %get3A_87 : i32 to index
        %get3A_89 = arith.constant 0 : index
        %get3A_90 = tpu.vector_load %arg11[%get3A_88, %get3A_89] {strides = array<i32>} : memref<16x128xf32, #tpu.memory_space<vmem>>, vector<16xf32>,
        %add3A_91 = arith.addf %add3A_86, %get3A_90 : vector<16xf32>
        %get3A_92 = arith.constant 12 : i32
        %get3A_93 = arith.index_cast %get3A_92 : i32 to index
        %get3A_94 = arith.constant 0 : index
        %get3A_95 = tpu.vector_load %arg11[%get3A_93, %get3A_94] {strides = array<i32>} : memref<16x128xf32, #tpu.memory_space<vmem>>, vector<16xf32>,
        %add3A_96 = arith.addf %add3A_91, %get3A_95 : vector<16xf32>
        %get3A_97 = arith.constant 13 : i32
        %get3A_98 = arith.index_cast %get3A_97 : i32 to index
        %get3A_99 = arith.constant 0 : index
        %get3A_100 = tpu.vector_load %arg11[%get3A_98, %get3A_99] {strides = array<i32>} : memref<16x128xf32, #tpu.memory_space<vmem>>, vector<16xf32>,
        %add3A_101 = arith.addf %add3A_96, %get3A_100 : vector<16xf32>
        %get3A_102 = arith.constant 14 : i32
        %get3A_103 = arith.index_cast %get3A_102 : i32 to index
        %get3A_104 = arith.constant 0 : index
        %get3A_105 = tpu.vector_load %arg11[%get3A_103, %get3A_104] {strides = array<i32>} : memref<16x128xf32, #tpu.memory_space<vmem>>, vector<16xf32>,
        %add3A_106 = arith.addf %add3A_101, %get3A_105 : vector<16xf32>
        %get3A_107 = arith.constant 15 : i32
        %get3A_108 = arith.index_cast %get3A_107 : i32 to index
        %get3A_109 = arith.constant 0 : index
        %get3A_110 = tpu.vector_load %arg11[%get3A_108, %get3A_109] {strides = array<i32>} : memref<16x128xf32, #tpu.memory_space<vmem>>, vector<16xf32>,
        %add3A_111 = arith.addf %add3A_106, %get3A_110 : vector<16xf32>
        %swap3A = arith.constant 0 : index
        %swap3A_112 = tpu.vector_load %arg10[%swap3A] {strides = array<i32>} : memref<1024xf32, #tpu.memory_space<vmem>>, vector<16xf32>,
        tpu.vector_store %arg10[%swap3A], %add3A_111 {strides = array<i32>} : memref<1024xf32, #tpu.memory_space<vmem>>, vector<16xf32>,
        %broadcast_in_dim3A_113 = arith.constant 0.000000e+00 : f32
        %broadcast_in_dim3A_114 = vector.broadcast %broadcast_in_dim3A_113 : f32 to vector<16xf32>
        %get3A_115 = arith.constant 0 : i32
        %get3A_116 = arith.index_cast %get3A_115 : i32 to index
        %get3A_117 = arith.constant 16 : index
        %get3A_118 = tpu.vector_load %arg11[%get3A_116, %get3A_117] {strides = array<i32>} : memref<16x128xf32, #tpu.memory_space<vmem>>, vector<16xf32>,
        %add3A_119 = arith.addf %broadcast_in_dim3A_114, %get3A_118 : vector<16xf32>
        %get3A_120 = arith.constant 1 : i32
        %get3A_121 = arith.index_cast %get3A_120 : i32 to index
        %get3A_122 = arith.constant 16 : index
        %get3A_123 = tpu.vector_load %arg11[%get3A_121, %get3A_122] {strides = array<i32>} : memref<16x128xf32, #tpu.memory_space<vmem>>, vector<16xf32>,
        %add3A_124 = arith.addf %add3A_119, %get3A_123 : vector<16xf32>
        %get3A_125 = arith.constant 2 : i32
        %get3A_126 = arith.index_cast %get3A_125 : i32 to index
        %get3A_127 = arith.constant 16 : index
        %get3A_128 = tpu.vector_load %arg11[%get3A_126, %get3A_127] {strides = array<i32>} : memref<16x128xf32, #tpu.memory_space<vmem>>, vector<16xf32>,
        %add3A_129 = arith.addf %add3A_124, %get3A_128 : vector<16xf32>
        %get3A_130 = arith.constant 3 : i32
        %get3A_131 = arith.index_cast %get3A_130 : i32 to index
        %get3A_132 = arith.constant 16 : index
        %get3A_133 = tpu.vector_load %arg11[%get3A_131, %get3A_132] {strides = array<i32>} : memref<16x128xf32, #tpu.memory_space<vmem>>, vector<16xf32>,
        %add3A_134 = arith.addf %add3A_129, %get3A_133 : vector<16xf32>
        %get3A_135 = arith.constant 4 : i32
        %get3A_136 = arith.index_cast %get3A_135 : i32 to index
        %get3A_137 = arith.constant 16 : index
        %get3A_138 = tpu.vector_load %arg11[%get3A_136, %get3A_137] {strides = array<i32>} : memref<16x128xf32, #tpu.memory_space<vmem>>, vector<16xf32>,
        %add3A_139 = arith.addf %add3A_134, %get3A_138 : vector<16xf32>
        %get3A_140 = arith.constant 5 : i32
        %get3A_141 = arith.index_cast %get3A_140 : i32 to index
        %get3A_142 = arith.constant 16 : index
        %get3A_143 = tpu.vector_load %arg11[%get3A_141, %get3A_142] {strides = array<i32>} : memref<16x128xf32, #tpu.memory_space<vmem>>, vector<16xf32>,
        %add3A_144 = arith.addf %add3A_139, %get3A_143 : vector<16xf32>
        %get3A_145 = arith.constant 6 : i32
        %get3A_146 = arith.index_cast %get3A_145 : i32 to index
        %get3A_147 = arith.constant 16 : index
        %get3A_148 = tpu.vector_load %arg11[%get3A_146, %get3A_147] {strides = array<i32>} : memref<16x128xf32, #tpu.memory_space<vmem>>, vector<16xf32>,
        %add3A_149 = arith.addf %add3A_144, %get3A_148 : vector<16xf32>
        %get3A_150 = arith.constant 7 : i32
        %get3A_151 = arith.index_cast %get3A_150 : i32 to index
        %get3A_152 = arith.constant 16 : index
        %get3A_153 = tpu.vector_load %arg11[%get3A_151, %get3A_152] {strides = array<i32>} : memref<16x128xf32, #tpu.memory_space<vmem>>, vector<16xf32>,
        %add3A_154 = arith.addf %add3A_149, %get3A_153 : vector<16xf32>
        %get3A_155 = arith.constant 8 : i32
        %get3A_156 = arith.index_cast %get3A_155 : i32 to index
        %get3A_157 = arith.constant 16 : index
        %get3A_158 = tpu.vector_load %arg11[%get3A_156, %get3A_157] {strides = array<i32>} : memref<16x128xf32, #tpu.memory_space<vmem>>, vector<16xf32>,
        %add3A_159 = arith.addf %add3A_154, %get3A_158 : vector<16xf32>
        %get3A_160 = arith.constant 9 : i32
        %get3A_161 = arith.index_cast %get3A_160 : i32 to index
        %get3A_162 = arith.constant 16 : index
        %get3A_163 = tpu.vector_load %arg11[%get3A_161, %get3A_162] {strides = array<i32>} : memref<16x128xf32, #tpu.memory_space<vmem>>, vector<16xf32>,
        %add3A_164 = arith.addf %add3A_159, %get3A_163 : vector<16xf32>
        %get3A_165 = arith.constant 10 : i32
        %get3A_166 = arith.index_cast %get3A_165 : i32 to index
        %get3A_167 = arith.constant 16 : index
        %get3A_168 = tpu.vector_load %arg11[%get3A_166, %get3A_167] {strides = array<i32>} : memref<16x128xf32, #tpu.memory_space<vmem>>, vector<16xf32>,
        %add3A_169 = arith.addf %add3A_164, %get3A_168 : vector<16xf32>
        %get3A_170 = arith.constant 11 : i32
        %get3A_171 = arith.index_cast %get3A_170 : i32 to index
        %get3A_172 = arith.constant 16 : index
        %get3A_173 = tpu.vector_load %arg11[%get3A_171, %get3A_172] {strides = array<i32>} : memref<16x128xf32, #tpu.memory_space<vmem>>, vector<16xf32>,
        %add3A_174 = arith.addf %add3A_169, %get3A_173 : vector<16xf32>
        %get3A_175 = arith.constant 12 : i32
        %get3A_176 = arith.index_cast %get3A_175 : i32 to index
        %get3A_177 = arith.constant 16 : index
        %get3A_178 = tpu.vector_load %arg11[%get3A_176, %get3A_177] {strides = array<i32>} : memref<16x128xf32, #tpu.memory_space<vmem>>, vector<16xf32>,
        %add3A_179 = arith.addf %add3A_174, %get3A_178 : vector<16xf32>
        %get3A_180 = arith.constant 13 : i32
        %get3A_181 = arith.index_cast %get3A_180 : i32 to index
        %get3A_182 = arith.constant 16 : index
        %get3A_183 = tpu.vector_load %arg11[%get3A_181, %get3A_182] {strides = array<i32>} : memref<16x128xf32, #tpu.memory_space<vmem>>, vector<16xf32>,
        %add3A_184 = arith.addf %add3A_179, %get3A_183 : vector<16xf32>
        %get3A_185 = arith.constant 14 : i32
        %get3A_186 = arith.index_cast %get3A_185 : i32 to index
        %get3A_187 = arith.constant 16 : index
        %get3A_188 = tpu.vector_load %arg11[%get3A_186, %get3A_187] {strides = array<i32>} : memref<16x128xf32, #tpu.memory_space<vmem>>, vector<16xf32>,
        %add3A_189 = arith.addf %add3A_184, %get3A_188 : vector<16xf32>
        %get3A_190 = arith.constant 15 : i32
        %get3A_191 = arith.index_cast %get3A_190 : i32 to index
        %get3A_192 = arith.constant 16 : index
        %get3A_193 = tpu.vector_load %arg11[%get3A_191, %get3A_192] {strides = array<i32>} : memref<16x128xf32, #tpu.memory_space<vmem>>, vector<16xf32>,
        %add3A_194 = arith.addf %add3A_189, %get3A_193 : vector<16xf32>
        %swap3A_195 = arith.constant 16 : index
        %swap3A_196 = tpu.vector_load %arg10[%swap3A_195] {strides = array<i32>} : memref<1024xf32, #tpu.memory_space<vmem>>, vector<16xf32>,
        tpu.vector_store %arg10[%swap3A_195], %add3A_194 {strides = array<i32>} : memref<1024xf32, #tpu.memory_space<vmem>>, vector<16xf32>,
        %broadcast_in_dim3A_197 = arith.constant 0.000000e+00 : f32
        %broadcast_in_dim3A_198 = vector.broadcast %broadcast_in_dim3A_197 : f32 to vector<16xf32>
        %get3A_199 = arith.constant 0 : i32
        %get3A_200 = arith.index_cast %get3A_199 : i32 to index
        %get3A_201 = arith.constant 32 : index
        %get3A_202 = tpu.vector_load %arg11[%get3A_200, %get3A_201] {strides = array<i32>} : memref<16x128xf32, #tpu.memory_space<vmem>>, vector<16xf32>,
        %add3A_203 = arith.addf %broadcast_in_dim3A_198, %get3A_202 : vector<16xf32>
        %get3A_204 = arith.constant 1 : i32
        %get3A_205 = arith.index_cast %get3A_204 : i32 to index
        %get3A_206 = arith.constant 32 : index
        %get3A_207 = tpu.vector_load %arg11[%get3A_205, %get3A_206] {strides = array<i32>} : memref<16x128xf32, #tpu.memory_space<vmem>>, vector<16xf32>,
        %add3A_208 = arith.addf %add3A_203, %get3A_207 : vector<16xf32>
        %get3A_209 = arith.constant 2 : i32
        %get3A_210 = arith.index_cast %get3A_209 : i32 to index
        %get3A_211 = arith.constant 32 : index
        %get3A_212 = tpu.vector_load %arg11[%get3A_210, %get3A_211] {strides = array<i32>} : memref<16x128xf32, #tpu.memory_space<vmem>>, vector<16xf32>,
        %add3A_213 = arith.addf %add3A_208, %get3A_212 : vector<16xf32>
        %get3A_214 = arith.constant 3 : i32
        %get3A_215 = arith.index_cast %get3A_214 : i32 to index
        %get3A_216 = arith.constant 32 : index
        %get3A_217 = tpu.vector_load %arg11[%get3A_215, %get3A_216] {strides = array<i32>} : memref<16x128xf32, #tpu.memory_space<vmem>>, vector<16xf32>,
        %add3A_218 = arith.addf %add3A_213, %get3A_217 : vector<16xf32>
        %get3A_219 = arith.constant 4 : i32
        %get3A_220 = arith.index_cast %get3A_219 : i32 to index
        %get3A_221 = arith.constant 32 : index
        %get3A_222 = tpu.vector_load %arg11[%get3A_220, %get3A_221] {strides = array<i32>} : memref<16x128xf32, #tpu.memory_space<vmem>>, vector<16xf32>,
        %add3A_223 = arith.addf %add3A_218, %get3A_222 : vector<16xf32>
        %get3A_224 = arith.constant 5 : i32
        %get3A_225 = arith.index_cast %get3A_224 : i32 to index
        %get3A_226 = arith.constant 32 : index
        %get3A_227 = tpu.vector_load %arg11[%get3A_225, %get3A_226] {strides = array<i32>} : memref<16x128xf32, #tpu.memory_space<vmem>>, vector<16xf32>,
        %add3A_228 = arith.addf %add3A_223, %get3A_227 : vector<16xf32>
        %get3A_229 = arith.constant 6 : i32
        %get3A_230 = arith.index_cast %get3A_229 : i32 to index
        %get3A_231 = arith.constant 32 : index
        %get3A_232 = tpu.vector_load %arg11[%get3A_230, %get3A_231] {strides = array<i32>} : memref<16x128xf32, #tpu.memory_space<vmem>>, vector<16xf32>,
        %add3A_233 = arith.addf %add3A_228, %get3A_232 : vector<16xf32>
        %get3A_234 = arith.constant 7 : i32
        %get3A_235 = arith.index_cast %get3A_234 : i32 to index
        %get3A_236 = arith.constant 32 : index
        %get3A_237 = tpu.vector_load %arg11[%get3A_235, %get3A_236] {strides = array<i32>} : memref<16x128xf32, #tpu.memory_space<vmem>>, vector<16xf32>,
        %add3A_238 = arith.addf %add3A_233, %get3A_237 : vector<16xf32>
        %get3A_239 = arith.constant 8 : i32
        %get3A_240 = arith.index_cast %get3A_239 : i32 to index
        %get3A_241 = arith.constant 32 : index
        %get3A_242 = tpu.vector_load %arg11[%get3A_240, %get3A_241] {strides = array<i32>} : memref<16x128xf32, #tpu.memory_space<vmem>>, vector<16xf32>,
        %add3A_243 = arith.addf %add3A_238, %get3A_242 : vector<16xf32>
        %get3A_244 = arith.constant 9 : i32
        %get3A_245 = arith.index_cast %get3A_244 : i32 to index
        %get3A_246 = arith.constant 32 : index
        %get3A_247 = tpu.vector_load %arg11[%get3A_245, %get3A_246] {strides = array<i32>} : memref<16x128xf32, #tpu.memory_space<vmem>>, vector<16xf32>,
        %add3A_248 = arith.addf %add3A_243, %get3A_247 : vector<16xf32>
        %get3A_249 = arith.constant 10 : i32
        %get3A_250 = arith.index_cast %get3A_249 : i32 to index
        %get3A_251 = arith.constant 32 : index
        %get3A_252 = tpu.vector_load %arg11[%get3A_250, %get3A_251] {strides = array<i32>} : memref<16x128xf32, #tpu.memory_space<vmem>>, vector<16xf32>,
        %add3A_253 = arith.addf %add3A_248, %get3A_252 : vector<16xf32>
        %get3A_254 = arith.constant 11 : i32
        %get3A_255 = arith.index_cast %get3A_254 : i32 to index
        %get3A_256 = arith.constant 32 : index
        %get3A_257 = tpu.vector_load %arg11[%get3A_255, %get3A_256] {strides = array<i32>} : memref<16x128xf32, #tpu.memory_space<vmem>>, vector<16xf32>,
        %add3A_258 = arith.addf %add3A_253, %get3A_257 : vector<16xf32>
        %get3A_259 = arith.constant 12 : i32
        %get3A_260 = arith.index_cast %get3A_259 : i32 to index
        %get3A_261 = arith.constant 32 : index
        %get3A_262 = tpu.vector_load %arg11[%get3A_260, %get3A_261] {strides = array<i32>} : memref<16x128xf32, #tpu.memory_space<vmem>>, vector<16xf32>,
        %add3A_263 = arith.addf %add3A_258, %get3A_262 : vector<16xf32>
        %get3A_264 = arith.constant 13 : i32
        %get3A_265 = arith.index_cast %get3A_264 : i32 to index
        %get3A_266 = arith.constant 32 : index
        %get3A_267 = tpu.vector_load %arg11[%get3A_265, %get3A_266] {strides = array<i32>} : memref<16x128xf32, #tpu.memory_space<vmem>>, vector<16xf32>,
        %add3A_268 = arith.addf %add3A_263, %get3A_267 : vector<16xf32>
        %get3A_269 = arith.constant 14 : i32
        %get3A_270 = arith.index_cast %get3A_269 : i32 to index
        %get3A_271 = arith.constant 32 : index
        %get3A_272 = tpu.vector_load %arg11[%get3A_270, %get3A_271] {strides = array<i32>} : memref<16x128xf32, #tpu.memory_space<vmem>>, vector<16xf32>,
        %add3A_273 = arith.addf %add3A_268, %get3A_272 : vector<16xf32>
        %get3A_274 = arith.constant 15 : i32
        %get3A_275 = arith.index_cast %get3A_274 : i32 to index
        %get3A_276 = arith.constant 32 : index
        %get3A_277 = tpu.vector_load %arg11[%get3A_275, %get3A_276] {strides = array<i32>} : memref<16x128xf32, #tpu.memory_space<vmem>>, vector<16xf32>,
        %add3A_278 = arith.addf %add3A_273, %get3A_277 : vector<16xf32>
        %swap3A_279 = arith.constant 32 : index
        %swap3A_280 = tpu.vector_load %arg10[%swap3A_279] {strides = array<i32>} : memref<1024xf32, #tpu.memory_space<vmem>>, vector<16xf32>,
        tpu.vector_store %arg10[%swap3A_279], %add3A_278 {strides = array<i32>} : memref<1024xf32, #tpu.memory_space<vmem>>, vector<16xf32>,
        %broadcast_in_dim3A_281 = arith.constant 0.000000e+00 : f32
        %broadcast_in_dim3A_282 = vector.broadcast %broadcast_in_dim3A_281 : f32 to vector<16xf32>
        %get3A_283 = arith.constant 0 : i32
        %get3A_284 = arith.index_cast %get3A_283 : i32 to index
        %get3A_285 = arith.constant 48 : index
        %get3A_286 = tpu.vector_load %arg11[%get3A_284, %get3A_285] {strides = array<i32>} : memref<16x128xf32, #tpu.memory_space<vmem>>, vector<16xf32>,
        %add3A_287 = arith.addf %broadcast_in_dim3A_282, %get3A_286 : vector<16xf32>
        %get3A_288 = arith.constant 1 : i32
        %get3A_289 = arith.index_cast %get3A_288 : i32 to index
        %get3A_290 = arith.constant 48 : index
        %get3A_291 = tpu.vector_load %arg11[%get3A_289, %get3A_290] {strides = array<i32>} : memref<16x128xf32, #tpu.memory_space<vmem>>, vector<16xf32>,
        %add3A_292 = arith.addf %add3A_287, %get3A_291 : vector<16xf32>
        %get3A_293 = arith.constant 2 : i32
        %get3A_294 = arith.index_cast %get3A_293 : i32 to index
        %get3A_295 = arith.constant 48 : index
        %get3A_296 = tpu.vector_load %arg11[%get3A_294, %get3A_295] {strides = array<i32>} : memref<16x128xf32, #tpu.memory_space<vmem>>, vector<16xf32>,
        %add3A_297 = arith.addf %add3A_292, %get3A_296 : vector<16xf32>
        %get3A_298 = arith.constant 3 : i32
        %get3A_299 = arith.index_cast %get3A_298 : i32 to index
        %get3A_300 = arith.constant 48 : index
        %get3A_301 = tpu.vector_load %arg11[%get3A_299, %get3A_300] {strides = array<i32>} : memref<16x128xf32, #tpu.memory_space<vmem>>, vector<16xf32>,
        %add3A_302 = arith.addf %add3A_297, %get3A_301 : vector<16xf32>
        %get3A_303 = arith.constant 4 : i32
        %get3A_304 = arith.index_cast %get3A_303 : i32 to index
        %get3A_305 = arith.constant 48 : index
        %get3A_306 = tpu.vector_load %arg11[%get3A_304, %get3A_305] {strides = array<i32>} : memref<16x128xf32, #tpu.memory_space<vmem>>, vector<16xf32>,
        %add3A_307 = arith.addf %add3A_302, %get3A_306 : vector<16xf32>
        %get3A_308 = arith.constant 5 : i32
        %get3A_309 = arith.index_cast %get3A_308 : i32 to index
        %get3A_310 = arith.constant 48 : index
        %get3A_311 = tpu.vector_load %arg11[%get3A_309, %get3A_310] {strides = array<i32>} : memref<16x128xf32, #tpu.memory_space<vmem>>, vector<16xf32>,
        %add3A_312 = arith.addf %add3A_307, %get3A_311 : vector<16xf32>
        %get3A_313 = arith.constant 6 : i32
        %get3A_314 = arith.index_cast %get3A_313 : i32 to index
        %get3A_315 = arith.constant 48 : index
        %get3A_316 = tpu.vector_load %arg11[%get3A_314, %get3A_315] {strides = array<i32>} : memref<16x128xf32, #tpu.memory_space<vmem>>, vector<16xf32>,
        %add3A_317 = arith.addf %add3A_312, %get3A_316 : vector<16xf32>
        %get3A_318 = arith.constant 7 : i32
        %get3A_319 = arith.index_cast %get3A_318 : i32 to index
        %get3A_320 = arith.constant 48 : index
        %get3A_321 = tpu.vector_load %arg11[%get3A_319, %get3A_320] {strides = array<i32>} : memref<16x128xf32, #tpu.memory_space<vmem>>, vector<16xf32>,
        %add3A_322 = arith.addf %add3A_317, %get3A_321 : vector<16xf32>
        %get3A_323 = arith.constant 8 : i32
        %get3A_324 = arith.index_cast %get3A_323 : i32 to index
        %get3A_325 = arith.constant 48 : index
        %get3A_326 = tpu.vector_load %arg11[%get3A_324, %get3A_325] {strides = array<i32>} : memref<16x128xf32, #tpu.memory_space<vmem>>, vector<16xf32>,
        %add3A_327 = arith.addf %add3A_322, %get3A_326 : vector<16xf32>
        %get3A_328 = arith.constant 9 : i32
        %get3A_329 = arith.index_cast %get3A_328 : i32 to index
        %get3A_330 = arith.constant 48 : index
        %get3A_331 = tpu.vector_load %arg11[%get3A_329, %get3A_330] {strides = array<i32>} : memref<16x128xf32, #tpu.memory_space<vmem>>, vector<16xf32>,
        %add3A_332 = arith.addf %add3A_327, %get3A_331 : vector<16xf32>
        %get3A_333 = arith.constant 10 : i32
        %get3A_334 = arith.index_cast %get3A_333 : i32 to index
        %get3A_335 = arith.constant 48 : index
        %get3A_336 = tpu.vector_load %arg11[%get3A_334, %get3A_335] {strides = array<i32>} : memref<16x128xf32, #tpu.memory_space<vmem>>, vector<16xf32>,
        %add3A_337 = arith.addf %add3A_332, %get3A_336 : vector<16xf32>
        %get3A_338 = arith.constant 11 : i32
        %get3A_339 = arith.index_cast %get3A_338 : i32 to index
        %get3A_340 = arith.constant 48 : index
        %get3A_341 = tpu.vector_load %arg11[%get3A_339, %get3A_340] {strides = array<i32>} : memref<16x128xf32, #tpu.memory_space<vmem>>, vector<16xf32>,
        %add3A_342 = arith.addf %add3A_337, %get3A_341 : vector<16xf32>
        %get3A_343 = arith.constant 12 : i32
        %get3A_344 = arith.index_cast %get3A_343 : i32 to index
        %get3A_345 = arith.constant 48 : index
        %get3A_346 = tpu.vector_load %arg11[%get3A_344, %get3A_345] {strides = array<i32>} : memref<16x128xf32, #tpu.memory_space<vmem>>, vector<16xf32>,
        %add3A_347 = arith.addf %add3A_342, %get3A_346 : vector<16xf32>
        %get3A_348 = arith.constant 13 : i32
        %get3A_349 = arith.index_cast %get3A_348 : i32 to index
        %get3A_350 = arith.constant 48 : index
        %get3A_351 = tpu.vector_load %arg11[%get3A_349, %get3A_350] {strides = array<i32>} : memref<16x128xf32, #tpu.memory_space<vmem>>, vector<16xf32>,
        %add3A_352 = arith.addf %add3A_347, %get3A_351 : vector<16xf32>
        %get3A_353 = arith.constant 14 : i32
        %get3A_354 = arith.index_cast %get3A_353 : i32 to index
        %get3A_355 = arith.constant 48 : index
        %get3A_356 = tpu.vector_load %arg11[%get3A_354, %get3A_355] {strides = array<i32>} : memref<16x128xf32, #tpu.memory_space<vmem>>, vector<16xf32>,
        %add3A_357 = arith.addf %add3A_352, %get3A_356 : vector<16xf32>
        %get3A_358 = arith.constant 15 : i32
        %get3A_359 = arith.index_cast %get3A_358 : i32 to index
        %get3A_360 = arith.constant 48 : index
        %get3A_361 = tpu.vector_load %arg11[%get3A_359, %get3A_360] {strides = array<i32>} : memref<16x128xf32, #tpu.memory_space<vmem>>, vector<16xf32>,
        %add3A_362 = arith.addf %add3A_357, %get3A_361 : vector<16xf32>
        %swap3A_363 = arith.constant 48 : index
        %swap3A_364 = tpu.vector_load %arg10[%swap3A_363] {strides = array<i32>} : memref<1024xf32, #tpu.memory_space<vmem>>, vector<16xf32>,
        tpu.vector_store %arg10[%swap3A_363], %add3A_362 {strides = array<i32>} : memref<1024xf32, #tpu.memory_space<vmem>>, vector<16xf32>,
        %broadcast_in_dim3A_365 = arith.constant 0.000000e+00 : f32
        %broadcast_in_dim3A_366 = vector.broadcast %broadcast_in_dim3A_365 : f32 to vector<16xf32>
        %get3A_367 = arith.constant 0 : i32
        %get3A_368 = arith.index_cast %get3A_367 : i32 to index
        %get3A_369 = arith.constant 64 : index
        %get3A_370 = tpu.vector_load %arg11[%get3A_368, %get3A_369] {strides = array<i32>} : memref<16x128xf32, #tpu.memory_space<vmem>>, vector<16xf32>,
        %add3A_371 = arith.addf %broadcast_in_dim3A_366, %get3A_370 : vector<16xf32>
        %get3A_372 = arith.constant 1 : i32
        %get3A_373 = arith.index_cast %get3A_372 : i32 to index
        %get3A_374 = arith.constant 64 : index
        %get3A_375 = tpu.vector_load %arg11[%get3A_373, %get3A_374] {strides = array<i32>} : memref<16x128xf32, #tpu.memory_space<vmem>>, vector<16xf32>,
        %add3A_376 = arith.addf %add3A_371, %get3A_375 : vector<16xf32>
        %get3A_377 = arith.constant 2 : i32
        %get3A_378 = arith.index_cast %get3A_377 : i32 to index
        %get3A_379 = arith.constant 64 : index
        %get3A_380 = tpu.vector_load %arg11[%get3A_378, %get3A_379] {strides = array<i32>} : memref<16x128xf32, #tpu.memory_space<vmem>>, vector<16xf32>,
        %add3A_381 = arith.addf %add3A_376, %get3A_380 : vector<16xf32>
        %get3A_382 = arith.constant 3 : i32
        %get3A_383 = arith.index_cast %get3A_382 : i32 to index
        %get3A_384 = arith.constant 64 : index
        %get3A_385 = tpu.vector_load %arg11[%get3A_383, %get3A_384] {strides = array<i32>} : memref<16x128xf32, #tpu.memory_space<vmem>>, vector<16xf32>,
        %add3A_386 = arith.addf %add3A_381, %get3A_385 : vector<16xf32>
        %get3A_387 = arith.constant 4 : i32
        %get3A_388 = arith.index_cast %get3A_387 : i32 to index
        %get3A_389 = arith.constant 64 : index
        %get3A_390 = tpu.vector_load %arg11[%get3A_388, %get3A_389] {strides = array<i32>} : memref<16x128xf32, #tpu.memory_space<vmem>>, vector<16xf32>,
        %add3A_391 = arith.addf %add3A_386, %get3A_390 : vector<16xf32>
        %get3A_392 = arith.constant 5 : i32
        %get3A_393 = arith.index_cast %get3A_392 : i32 to index
        %get3A_394 = arith.constant 64 : index
        %get3A_395 = tpu.vector_load %arg11[%get3A_393, %get3A_394] {strides = array<i32>} : memref<16x128xf32, #tpu.memory_space<vmem>>, vector<16xf32>,
        %add3A_396 = arith.addf %add3A_391, %get3A_395 : vector<16xf32>
        %get3A_397 = arith.constant 6 : i32
        %get3A_398 = arith.index_cast %get3A_397 : i32 to index
        %get3A_399 = arith.constant 64 : index
        %get3A_400 = tpu.vector_load %arg11[%get3A_398, %get3A_399] {strides = array<i32>} : memref<16x128xf32, #tpu.memory_space<vmem>>, vector<16xf32>,
        %add3A_401 = arith.addf %add3A_396, %get3A_400 : vector<16xf32>
        %get3A_402 = arith.constant 7 : i32
        %get3A_403 = arith.index_cast %get3A_402 : i32 to index
        %get3A_404 = arith.constant 64 : index
        %get3A_405 = tpu.vector_load %arg11[%get3A_403, %get3A_404] {strides = array<i32>} : memref<16x128xf32, #tpu.memory_space<vmem>>, vector<16xf32>,
        %add3A_406 = arith.addf %add3A_401, %get3A_405 : vector<16xf32>
        %get3A_407 = arith.constant 8 : i32
        %get3A_408 = arith.index_cast %get3A_407 : i32 to index
        %get3A_409 = arith.constant 64 : index
        %get3A_410 = tpu.vector_load %arg11[%get3A_408, %get3A_409] {strides = array<i32>} : memref<16x128xf32, #tpu.memory_space<vmem>>, vector<16xf32>,
        %add3A_411 = arith.addf %add3A_406, %get3A_410 : vector<16xf32>
        %get3A_412 = arith.constant 9 : i32
        %get3A_413 = arith.index_cast %get3A_412 : i32 to index
        %get3A_414 = arith.constant 64 : index
        %get3A_415 = tpu.vector_load %arg11[%get3A_413, %get3A_414] {strides = array<i32>} : memref<16x128xf32, #tpu.memory_space<vmem>>, vector<16xf32>,
        %add3A_416 = arith.addf %add3A_411, %get3A_415 : vector<16xf32>
        %get3A_417 = arith.constant 10 : i32
        %get3A_418 = arith.index_cast %get3A_417 : i32 to index
        %get3A_419 = arith.constant 64 : index
        %get3A_420 = tpu.vector_load %arg11[%get3A_418, %get3A_419] {strides = array<i32>} : memref<16x128xf32, #tpu.memory_space<vmem>>, vector<16xf32>,
        %add3A_421 = arith.addf %add3A_416, %get3A_420 : vector<16xf32>
        %get3A_422 = arith.constant 11 : i32
        %get3A_423 = arith.index_cast %get3A_422 : i32 to index
        %get3A_424 = arith.constant 64 : index
        %get3A_425 = tpu.vector_load %arg11[%get3A_423, %get3A_424] {strides = array<i32>} : memref<16x128xf32, #tpu.memory_space<vmem>>, vector<16xf32>,
        %add3A_426 = arith.addf %add3A_421, %get3A_425 : vector<16xf32>
        %get3A_427 = arith.constant 12 : i32
        %get3A_428 = arith.index_cast %get3A_427 : i32 to index
        %get3A_429 = arith.constant 64 : index
        %get3A_430 = tpu.vector_load %arg11[%get3A_428, %get3A_429] {strides = array<i32>} : memref<16x128xf32, #tpu.memory_space<vmem>>, vector<16xf32>,
        %add3A_431 = arith.addf %add3A_426, %get3A_430 : vector<16xf32>
        %get3A_432 = arith.constant 13 : i32
        %get3A_433 = arith.index_cast %get3A_432 : i32 to index
        %get3A_434 = arith.constant 64 : index
        %get3A_435 = tpu.vector_load %arg11[%get3A_433, %get3A_434] {strides = array<i32>} : memref<16x128xf32, #tpu.memory_space<vmem>>, vector<16xf32>,
        %add3A_436 = arith.addf %add3A_431, %get3A_435 : vector<16xf32>
        %get3A_437 = arith.constant 14 : i32
        %get3A_438 = arith.index_cast %get3A_437 : i32 to index
        %get3A_439 = arith.constant 64 : index
        %get3A_440 = tpu.vector_load %arg11[%get3A_438, %get3A_439] {strides = array<i32>} : memref<16x128xf32, #tpu.memory_space<vmem>>, vector<16xf32>,
        %add3A_441 = arith.addf %add3A_436, %get3A_440 : vector<16xf32>
        %get3A_442 = arith.constant 15 : i32
        %get3A_443 = arith.index_cast %get3A_442 : i32 to index
        %get3A_444 = arith.constant 64 : index
        %get3A_445 = tpu.vector_load %arg11[%get3A_443, %get3A_444] {strides = array<i32>} : memref<16x128xf32, #tpu.memory_space<vmem>>, vector<16xf32>,
        %add3A_446 = arith.addf %add3A_441, %get3A_445 : vector<16xf32>
        %swap3A_447 = arith.constant 64 : index
        %swap3A_448 = tpu.vector_load %arg10[%swap3A_447] {strides = array<i32>} : memref<1024xf32, #tpu.memory_space<vmem>>, vector<16xf32>,
        tpu.vector_store %arg10[%swap3A_447], %add3A_446 {strides = array<i32>} : memref<1024xf32, #tpu.memory_space<vmem>>, vector<16xf32>,
        %broadcast_in_dim3A_449 = arith.constant 0.000000e+00 : f32
        %broadcast_in_dim3A_450 = vector.broadcast %broadcast_in_dim3A_449 : f32 to vector<16xf32>
        %get3A_451 = arith.constant 0 : i32
        %get3A_452 = arith.index_cast %get3A_451 : i32 to index
        %get3A_453 = arith.constant 80 : index
        %get3A_454 = tpu.vector_load %arg11[%get3A_452, %get3A_453] {strides = array<i32>} : memref<16x128xf32, #tpu.memory_space<vmem>>, vector<16xf32>,
        %add3A_455 = arith.addf %broadcast_in_dim3A_450, %get3A_454 : vector<16xf32>
        %get3A_456 = arith.constant 1 : i32
        %get3A_457 = arith.index_cast %get3A_456 : i32 to index
        %get3A_458 = arith.constant 80 : index
        %get3A_459 = tpu.vector_load %arg11[%get3A_457, %get3A_458] {strides = array<i32>} : memref<16x128xf32, #tpu.memory_space<vmem>>, vector<16xf32>,
        %add3A_460 = arith.addf %add3A_455, %get3A_459 : vector<16xf32>
        %get3A_461 = arith.constant 2 : i32
        %get3A_462 = arith.index_cast %get3A_461 : i32 to index
        %get3A_463 = arith.constant 80 : index
        %get3A_464 = tpu.vector_load %arg11[%get3A_462, %get3A_463] {strides = array<i32>} : memref<16x128xf32, #tpu.memory_space<vmem>>, vector<16xf32>,
        %add3A_465 = arith.addf %add3A_460, %get3A_464 : vector<16xf32>
        %get3A_466 = arith.constant 3 : i32
        %get3A_467 = arith.index_cast %get3A_466 : i32 to index
        %get3A_468 = arith.constant 80 : index
        %get3A_469 = tpu.vector_load %arg11[%get3A_467, %get3A_468] {strides = array<i32>} : memref<16x128xf32, #tpu.memory_space<vmem>>, vector<16xf32>,
        %add3A_470 = arith.addf %add3A_465, %get3A_469 : vector<16xf32>
        %get3A_471 = arith.constant 4 : i32
        %get3A_472 = arith.index_cast %get3A_471 : i32 to index
        %get3A_473 = arith.constant 80 : index
        %get3A_474 = tpu.vector_load %arg11[%get3A_472, %get3A_473] {strides = array<i32>} : memref<16x128xf32, #tpu.memory_space<vmem>>, vector<16xf32>,
        %add3A_475 = arith.addf %add3A_470, %get3A_474 : vector<16xf32>
        %get3A_476 = arith.constant 5 : i32
        %get3A_477 = arith.index_cast %get3A_476 : i32 to index
        %get3A_478 = arith.constant 80 : index
        %get3A_479 = tpu.vector_load %arg11[%get3A_477, %get3A_478] {strides = array<i32>} : memref<16x128xf32, #tpu.memory_space<vmem>>, vector<16xf32>,
        %add3A_480 = arith.addf %add3A_475, %get3A_479 : vector<16xf32>
        %get3A_481 = arith.constant 6 : i32
        %get3A_482 = arith.index_cast %get3A_481 : i32 to index
        %get3A_483 = arith.constant 80 : index
        %get3A_484 = tpu.vector_load %arg11[%get3A_482, %get3A_483] {strides = array<i32>} : memref<16x128xf32, #tpu.memory_space<vmem>>, vector<16xf32>,
        %add3A_485 = arith.addf %add3A_480, %get3A_484 : vector<16xf32>
        %get3A_486 = arith.constant 7 : i32
        %get3A_487 = arith.index_cast %get3A_486 : i32 to index
        %get3A_488 = arith.constant 80 : index
        %get3A_489 = tpu.vector_load %arg11[%get3A_487, %get3A_488] {strides = array<i32>} : memref<16x128xf32, #tpu.memory_space<vmem>>, vector<16xf32>,
        %add3A_490 = arith.addf %add3A_485, %get3A_489 : vector<16xf32>
        %get3A_491 = arith.constant 8 : i32
        %get3A_492 = arith.index_cast %get3A_491 : i32 to index
        %get3A_493 = arith.constant 80 : index
        %get3A_494 = tpu.vector_load %arg11[%get3A_492, %get3A_493] {strides = array<i32>} : memref<16x128xf32, #tpu.memory_space<vmem>>, vector<16xf32>,
        %add3A_495 = arith.addf %add3A_490, %get3A_494 : vector<16xf32>
        %get3A_496 = arith.constant 9 : i32
        %get3A_497 = arith.index_cast %get3A_496 : i32 to index
        %get3A_498 = arith.constant 80 : index
        %get3A_499 = tpu.vector_load %arg11[%get3A_497, %get3A_498] {strides = array<i32>} : memref<16x128xf32, #tpu.memory_space<vmem>>, vector<16xf32>,
        %add3A_500 = arith.addf %add3A_495, %get3A_499 : vector<16xf32>
        %get3A_501 = arith.constant 10 : i32
        %get3A_502 = arith.index_cast %get3A_501 : i32 to index
        %get3A_503 = arith.constant 80 : index
        %get3A_504 = tpu.vector_load %arg11[%get3A_502, %get3A_503] {strides = array<i32>} : memref<16x128xf32, #tpu.memory_space<vmem>>, vector<16xf32>,
        %add3A_505 = arith.addf %add3A_500, %get3A_504 : vector<16xf32>
        %get3A_506 = arith.constant 11 : i32
        %get3A_507 = arith.index_cast %get3A_506 : i32 to index
        %get3A_508 = arith.constant 80 : index
        %get3A_509 = tpu.vector_load %arg11[%get3A_507, %get3A_508] {strides = array<i32>} : memref<16x128xf32, #tpu.memory_space<vmem>>, vector<16xf32>,
        %add3A_510 = arith.addf %add3A_505, %get3A_509 : vector<16xf32>
        %get3A_511 = arith.constant 12 : i32
        %get3A_512 = arith.index_cast %get3A_511 : i32 to index
        %get3A_513 = arith.constant 80 : index
        %get3A_514 = tpu.vector_load %arg11[%get3A_512, %get3A_513] {strides = array<i32>} : memref<16x128xf32, #tpu.memory_space<vmem>>, vector<16xf32>,
        %add3A_515 = arith.addf %add3A_510, %get3A_514 : vector<16xf32>
        %get3A_516 = arith.constant 13 : i32
        %get3A_517 = arith.index_cast %get3A_516 : i32 to index
        %get3A_518 = arith.constant 80 : index
        %get3A_519 = tpu.vector_load %arg11[%get3A_517, %get3A_518] {strides = array<i32>} : memref<16x128xf32, #tpu.memory_space<vmem>>, vector<16xf32>,
        %add3A_520 = arith.addf %add3A_515, %get3A_519 : vector<16xf32>
        %get3A_521 = arith.constant 14 : i32
        %get3A_522 = arith.index_cast %get3A_521 : i32 to index
        %get3A_523 = arith.constant 80 : index
        %get3A_524 = tpu.vector_load %arg11[%get3A_522, %get3A_523] {strides = array<i32>} : memref<16x128xf32, #tpu.memory_space<vmem>>, vector<16xf32>,
        %add3A_525 = arith.addf %add3A_520, %get3A_524 : vector<16xf32>
        %get3A_526 = arith.constant 15 : i32
        %get3A_527 = arith.index_cast %get3A_526 : i32 to index
        %get3A_528 = arith.constant 80 : index
        %get3A_529 = tpu.vector_load %arg11[%get3A_527, %get3A_528] {strides = array<i32>} : memref<16x128xf32, #tpu.memory_space<vmem>>, vector<16xf32>,
        %add3A_530 = arith.addf %add3A_525, %get3A_529 : vector<16xf32>
        %swap3A_531 = arith.constant 80 : index
        %swap3A_532 = tpu.vector_load %arg10[%swap3A_531] {strides = array<i32>} : memref<1024xf32, #tpu.memory_space<vmem>>, vector<16xf32>,
        tpu.vector_store %arg10[%swap3A_531], %add3A_530 {strides = array<i32>} : memref<1024xf32, #tpu.memory_space<vmem>>, vector<16xf32>,
        %broadcast_in_dim3A_533 = arith.constant 0.000000e+00 : f32
        %broadcast_in_dim3A_534 = vector.broadcast %broadcast_in_dim3A_533 : f32 to vector<16xf32>
        %get3A_535 = arith.constant 0 : i32
        %get3A_536 = arith.index_cast %get3A_535 : i32 to index
        %get3A_537 = arith.constant 96 : index
        %get3A_538 = tpu.vector_load %arg11[%get3A_536, %get3A_537] {strides = array<i32>} : memref<16x128xf32, #tpu.memory_space<vmem>>, vector<16xf32>,
        %add3A_539 = arith.addf %broadcast_in_dim3A_534, %get3A_538 : vector<16xf32>
        %get3A_540 = arith.constant 1 : i32
        %get3A_541 = arith.index_cast %get3A_540 : i32 to index
        %get3A_542 = arith.constant 96 : index
        %get3A_543 = tpu.vector_load %arg11[%get3A_541, %get3A_542] {strides = array<i32>} : memref<16x128xf32, #tpu.memory_space<vmem>>, vector<16xf32>,
        %add3A_544 = arith.addf %add3A_539, %get3A_543 : vector<16xf32>
        %get3A_545 = arith.constant 2 : i32
        %get3A_546 = arith.index_cast %get3A_545 : i32 to index
        %get3A_547 = arith.constant 96 : index
        %get3A_548 = tpu.vector_load %arg11[%get3A_546, %get3A_547] {strides = array<i32>} : memref<16x128xf32, #tpu.memory_space<vmem>>, vector<16xf32>,
        %add3A_549 = arith.addf %add3A_544, %get3A_548 : vector<16xf32>
        %get3A_550 = arith.constant 3 : i32
        %get3A_551 = arith.index_cast %get3A_550 : i32 to index
        %get3A_552 = arith.constant 96 : index
        %get3A_553 = tpu.vector_load %arg11[%get3A_551, %get3A_552] {strides = array<i32>} : memref<16x128xf32, #tpu.memory_space<vmem>>, vector<16xf32>,
        %add3A_554 = arith.addf %add3A_549, %get3A_553 : vector<16xf32>
        %get3A_555 = arith.constant 4 : i32
        %get3A_556 = arith.index_cast %get3A_555 : i32 to index
        %get3A_557 = arith.constant 96 : index
        %get3A_558 = tpu.vector_load %arg11[%get3A_556, %get3A_557] {strides = array<i32>} : memref<16x128xf32, #tpu.memory_space<vmem>>, vector<16xf32>,
        %add3A_559 = arith.addf %add3A_554, %get3A_558 : vector<16xf32>
        %get3A_560 = arith.constant 5 : i32
        %get3A_561 = arith.index_cast %get3A_560 : i32 to index
        %get3A_562 = arith.constant 96 : index
        %get3A_563 = tpu.vector_load %arg11[%get3A_561, %get3A_562] {strides = array<i32>} : memref<16x128xf32, #tpu.memory_space<vmem>>, vector<16xf32>,
        %add3A_564 = arith.addf %add3A_559, %get3A_563 : vector<16xf32>
        %get3A_565 = arith.constant 6 : i32
        %get3A_566 = arith.index_cast %get3A_565 : i32 to index
        %get3A_567 = arith.constant 96 : index
        %get3A_568 = tpu.vector_load %arg11[%get3A_566, %get3A_567] {strides = array<i32>} : memref<16x128xf32, #tpu.memory_space<vmem>>, vector<16xf32>,
        %add3A_569 = arith.addf %add3A_564, %get3A_568 : vector<16xf32>
        %get3A_570 = arith.constant 7 : i32
        %get3A_571 = arith.index_cast %get3A_570 : i32 to index
        %get3A_572 = arith.constant 96 : index
        %get3A_573 = tpu.vector_load %arg11[%get3A_571, %get3A_572] {strides = array<i32>} : memref<16x128xf32, #tpu.memory_space<vmem>>, vector<16xf32>,
        %add3A_574 = arith.addf %add3A_569, %get3A_573 : vector<16xf32>
        %get3A_575 = arith.constant 8 : i32
        %get3A_576 = arith.index_cast %get3A_575 : i32 to index
        %get3A_577 = arith.constant 96 : index
        %get3A_578 = tpu.vector_load %arg11[%get3A_576, %get3A_577] {strides = array<i32>} : memref<16x128xf32, #tpu.memory_space<vmem>>, vector<16xf32>,
        %add3A_579 = arith.addf %add3A_574, %get3A_578 : vector<16xf32>
        %get3A_580 = arith.constant 9 : i32
        %get3A_581 = arith.index_cast %get3A_580 : i32 to index
        %get3A_582 = arith.constant 96 : index
        %get3A_583 = tpu.vector_load %arg11[%get3A_581, %get3A_582] {strides = array<i32>} : memref<16x128xf32, #tpu.memory_space<vmem>>, vector<16xf32>,
        %add3A_584 = arith.addf %add3A_579, %get3A_583 : vector<16xf32>
        %get3A_585 = arith.constant 10 : i32
        %get3A_586 = arith.index_cast %get3A_585 : i32 to index
        %get3A_587 = arith.constant 96 : index
        %get3A_588 = tpu.vector_load %arg11[%get3A_586, %get3A_587] {strides = array<i32>} : memref<16x128xf32, #tpu.memory_space<vmem>>, vector<16xf32>,
        %add3A_589 = arith.addf %add3A_584, %get3A_588 : vector<16xf32>
        %get3A_590 = arith.constant 11 : i32
        %get3A_591 = arith.index_cast %get3A_590 : i32 to index
        %get3A_592 = arith.constant 96 : index
        %get3A_593 = tpu.vector_load %arg11[%get3A_591, %get3A_592] {strides = array<i32>} : memref<16x128xf32, #tpu.memory_space<vmem>>, vector<16xf32>,
        %add3A_594 = arith.addf %add3A_589, %get3A_593 : vector<16xf32>
        %get3A_595 = arith.constant 12 : i32
        %get3A_596 = arith.index_cast %get3A_595 : i32 to index
        %get3A_597 = arith.constant 96 : index
        %get3A_598 = tpu.vector_load %arg11[%get3A_596, %get3A_597] {strides = array<i32>} : memref<16x128xf32, #tpu.memory_space<vmem>>, vector<16xf32>,
        %add3A_599 = arith.addf %add3A_594, %get3A_598 : vector<16xf32>
        %get3A_600 = arith.constant 13 : i32
        %get3A_601 = arith.index_cast %get3A_600 : i32 to index
        %get3A_602 = arith.constant 96 : index
        %get3A_603 = tpu.vector_load %arg11[%get3A_601, %get3A_602] {strides = array<i32>} : memref<16x128xf32, #tpu.memory_space<vmem>>, vector<16xf32>,
        %add3A_604 = arith.addf %add3A_599, %get3A_603 : vector<16xf32>
        %get3A_605 = arith.constant 14 : i32
        %get3A_606 = arith.index_cast %get3A_605 : i32 to index
        %get3A_607 = arith.constant 96 : index
        %get3A_608 = tpu.vector_load %arg11[%get3A_606, %get3A_607] {strides = array<i32>} : memref<16x128xf32, #tpu.memory_space<vmem>>, vector<16xf32>,
        %add3A_609 = arith.addf %add3A_604, %get3A_608 : vector<16xf32>
        %get3A_610 = arith.constant 15 : i32
        %get3A_611 = arith.index_cast %get3A_610 : i32 to index
        %get3A_612 = arith.constant 96 : index
        %get3A_613 = tpu.vector_load %arg11[%get3A_611, %get3A_612] {strides = array<i32>} : memref<16x128xf32, #tpu.memory_space<vmem>>, vector<16xf32>,
        %add3A_614 = arith.addf %add3A_609, %get3A_613 : vector<16xf32>
        %swap3A_615 = arith.constant 96 : index
        %swap3A_616 = tpu.vector_load %arg10[%swap3A_615] {strides = array<i32>} : memref<1024xf32, #tpu.memory_space<vmem>>, vector<16xf32>,
        tpu.vector_store %arg10[%swap3A_615], %add3A_614 {strides = array<i32>} : memref<1024xf32, #tpu.memory_space<vmem>>, vector<16xf32>,
        %broadcast_in_dim3A_617 = arith.constant 0.000000e+00 : f32
        %broadcast_in_dim3A_618 = vector.broadcast %broadcast_in_dim3A_617 : f32 to vector<16xf32>
        %get3A_619 = arith.constant 0 : i32
        %get3A_620 = arith.index_cast %get3A_619 : i32 to index
        %get3A_621 = arith.constant 112 : index
        %get3A_622 = tpu.vector_load %arg11[%get3A_620, %get3A_621] {strides = array<i32>} : memref<16x128xf32, #tpu.memory_space<vmem>>, vector<16xf32>,
        %add3A_623 = arith.addf %broadcast_in_dim3A_618, %get3A_622 : vector<16xf32>
        %get3A_624 = arith.constant 1 : i32
        %get3A_625 = arith.index_cast %get3A_624 : i32 to index
        %get3A_626 = arith.constant 112 : index
        %get3A_627 = tpu.vector_load %arg11[%get3A_625, %get3A_626] {strides = array<i32>} : memref<16x128xf32, #tpu.memory_space<vmem>>, vector<16xf32>,
        %add3A_628 = arith.addf %add3A_623, %get3A_627 : vector<16xf32>
        %get3A_629 = arith.constant 2 : i32
        %get3A_630 = arith.index_cast %get3A_629 : i32 to index
        %get3A_631 = arith.constant 112 : index
        %get3A_632 = tpu.vector_load %arg11[%get3A_630, %get3A_631] {strides = array<i32>} : memref<16x128xf32, #tpu.memory_space<vmem>>, vector<16xf32>,
        %add3A_633 = arith.addf %add3A_628, %get3A_632 : vector<16xf32>
        %get3A_634 = arith.constant 3 : i32
        %get3A_635 = arith.index_cast %get3A_634 : i32 to index
        %get3A_636 = arith.constant 112 : index
        %get3A_637 = tpu.vector_load %arg11[%get3A_635, %get3A_636] {strides = array<i32>} : memref<16x128xf32, #tpu.memory_space<vmem>>, vector<16xf32>,
        %add3A_638 = arith.addf %add3A_633, %get3A_637 : vector<16xf32>
        %get3A_639 = arith.constant 4 : i32
        %get3A_640 = arith.index_cast %get3A_639 : i32 to index
        %get3A_641 = arith.constant 112 : index
        %get3A_642 = tpu.vector_load %arg11[%get3A_640, %get3A_641] {strides = array<i32>} : memref<16x128xf32, #tpu.memory_space<vmem>>, vector<16xf32>,
        %add3A_643 = arith.addf %add3A_638, %get3A_642 : vector<16xf32>
        %get3A_644 = arith.constant 5 : i32
        %get3A_645 = arith.index_cast %get3A_644 : i32 to index
        %get3A_646 = arith.constant 112 : index
        %get3A_647 = tpu.vector_load %arg11[%get3A_645, %get3A_646] {strides = array<i32>} : memref<16x128xf32, #tpu.memory_space<vmem>>, vector<16xf32>,
        %add3A_648 = arith.addf %add3A_643, %get3A_647 : vector<16xf32>
        %get3A_649 = arith.constant 6 : i32
        %get3A_650 = arith.index_cast %get3A_649 : i32 to index
        %get3A_651 = arith.constant 112 : index
        %get3A_652 = tpu.vector_load %arg11[%get3A_650, %get3A_651] {strides = array<i32>} : memref<16x128xf32, #tpu.memory_space<vmem>>, vector<16xf32>,
        %add3A_653 = arith.addf %add3A_648, %get3A_652 : vector<16xf32>
        %get3A_654 = arith.constant 7 : i32
        %get3A_655 = arith.index_cast %get3A_654 : i32 to index
        %get3A_656 = arith.constant 112 : index
        %get3A_657 = tpu.vector_load %arg11[%get3A_655, %get3A_656] {strides = array<i32>} : memref<16x128xf32, #tpu.memory_space<vmem>>, vector<16xf32>,
        %add3A_658 = arith.addf %add3A_653, %get3A_657 : vector<16xf32>
        %get3A_659 = arith.constant 8 : i32
        %get3A_660 = arith.index_cast %get3A_659 : i32 to index
        %get3A_661 = arith.constant 112 : index
        %get3A_662 = tpu.vector_load %arg11[%get3A_660, %get3A_661] {strides = array<i32>} : memref<16x128xf32, #tpu.memory_space<vmem>>, vector<16xf32>,
        %add3A_663 = arith.addf %add3A_658, %get3A_662 : vector<16xf32>
        %get3A_664 = arith.constant 9 : i32
        %get3A_665 = arith.index_cast %get3A_664 : i32 to index
        %get3A_666 = arith.constant 112 : index
        %get3A_667 = tpu.vector_load %arg11[%get3A_665, %get3A_666] {strides = array<i32>} : memref<16x128xf32, #tpu.memory_space<vmem>>, vector<16xf32>,
        %add3A_668 = arith.addf %add3A_663, %get3A_667 : vector<16xf32>
        %get3A_669 = arith.constant 10 : i32
        %get3A_670 = arith.index_cast %get3A_669 : i32 to index
        %get3A_671 = arith.constant 112 : index
        %get3A_672 = tpu.vector_load %arg11[%get3A_670, %get3A_671] {strides = array<i32>} : memref<16x128xf32, #tpu.memory_space<vmem>>, vector<16xf32>,
        %add3A_673 = arith.addf %add3A_668, %get3A_672 : vector<16xf32>
        %get3A_674 = arith.constant 11 : i32
        %get3A_675 = arith.index_cast %get3A_674 : i32 to index
        %get3A_676 = arith.constant 112 : index
        %get3A_677 = tpu.vector_load %arg11[%get3A_675, %get3A_676] {strides = array<i32>} : memref<16x128xf32, #tpu.memory_space<vmem>>, vector<16xf32>,
        %add3A_678 = arith.addf %add3A_673, %get3A_677 : vector<16xf32>
        %get3A_679 = arith.constant 12 : i32
        %get3A_680 = arith.index_cast %get3A_679 : i32 to index
        %get3A_681 = arith.constant 112 : index
        %get3A_682 = tpu.vector_load %arg11[%get3A_680, %get3A_681] {strides = array<i32>} : memref<16x128xf32, #tpu.memory_space<vmem>>, vector<16xf32>,
        %add3A_683 = arith.addf %add3A_678, %get3A_682 : vector<16xf32>
        %get3A_684 = arith.constant 13 : i32
        %get3A_685 = arith.index_cast %get3A_684 : i32 to index
        %get3A_686 = arith.constant 112 : index
        %get3A_687 = tpu.vector_load %arg11[%get3A_685, %get3A_686] {strides = array<i32>} : memref<16x128xf32, #tpu.memory_space<vmem>>, vector<16xf32>,
        %add3A_688 = arith.addf %add3A_683, %get3A_687 : vector<16xf32>
        %get3A_689 = arith.constant 14 : i32
        %get3A_690 = arith.index_cast %get3A_689 : i32 to index
        %get3A_691 = arith.constant 112 : index
        %get3A_692 = tpu.vector_load %arg11[%get3A_690, %get3A_691] {strides = array<i32>} : memref<16x128xf32, #tpu.memory_space<vmem>>, vector<16xf32>,
        %add3A_693 = arith.addf %add3A_688, %get3A_692 : vector<16xf32>
        %get3A_694 = arith.constant 15 : i32
        %get3A_695 = arith.index_cast %get3A_694 : i32 to index
        %get3A_696 = arith.constant 112 : index
        %get3A_697 = tpu.vector_load %arg11[%get3A_695, %get3A_696] {strides = array<i32>} : memref<16x128xf32, #tpu.memory_space<vmem>>, vector<16xf32>,
        %add3A_698 = arith.addf %add3A_693, %get3A_697 : vector<16xf32>
        %swap3A_699 = arith.constant 112 : index
        %swap3A_700 = tpu.vector_load %arg10[%swap3A_699] {strides = array<i32>} : memref<1024xf32, #tpu.memory_space<vmem>>, vector<16xf32>,
        tpu.vector_store %arg10[%swap3A_699], %add3A_698 {strides = array<i32>} : memref<1024xf32, #tpu.memory_space<vmem>>, vector<16xf32>,
        %mul3A_701 = arith.constant 128 : i32
        %mul3A_702 = arith.muli %arg1, %mul3A_701 : i32
        "tpu.region"() ({
          %run_scoped3A = tpu.sem_alloc : memref<!tpu.dma_semaphore, #tpu.memory_space<semaphore_mem>>
          %dma_start3A_703 = arith.constant 0 : i32
          %dma_start3A_704 = tpu.memref_slice %arg10[%dma_start3A_703] : memref<1024xf32, #tpu.memory_space<vmem>> -> memref<128xf32, #tpu.memory_space<vmem>>
          %dma_start3A_705 = tpu.memref_slice %arg4[%mul3A_702] : memref<1024xf32, #tpu.memory_space<hbm>> -> memref<128xf32, #tpu.memory_space<hbm>>
          %dma_start3A_706 = tpu.memref_slice %arg4[%mul3A_702] : memref<1024xf32, #tpu.memory_space<hbm>> -> memref<128xf32, #tpu.memory_space<hbm>>
          %dma_start3A_707 = arith.constant 0 : i32
          %dma_start3A_708 = tpu.memref_slice %arg10[%dma_start3A_707] : memref<1024xf32, #tpu.memory_space<vmem>> -> memref<128xf32, #tpu.memory_space<vmem>>
          tpu.enqueue_dma source(%dma_start3A_708 : memref<128xf32, #tpu.memory_space<vmem>>) target(%dma_start3A_706 : memref<128xf32, #tpu.memory_space<hbm>>) target_semaphore(%run_scoped3A : memref<!tpu.dma_semaphore, #tpu.memory_space<semaphore_mem>>)
          %dma_wait3A_709 = arith.constant 0 : i32
          %dma_wait3A_710 = tpu.memref_slice %arg10[%dma_wait3A_709] : memref<1024xf32, #tpu.memory_space<vmem>> -> memref<128xf32, #tpu.memory_space<vmem>>
          %dma_wait3A_711 = tpu.memref_slice %arg4[%mul3A_702] : memref<1024xf32, #tpu.memory_space<hbm>> -> memref<128xf32, #tpu.memory_space<hbm>>
          %dma_wait3A_712 = tpu.memref_slice %arg4[%mul3A_702] : memref<1024xf32, #tpu.memory_space<hbm>> -> memref<128xf32, #tpu.memory_space<hbm>>
          %dma_wait3A_713 = arith.constant 0 : i32
          %dma_wait3A_714 = tpu.memref_slice %arg10[%dma_wait3A_713] : memref<1024xf32, #tpu.memory_space<vmem>> -> memref<128xf32, #tpu.memory_space<vmem>>
          tpu.wait_dma2 semaphore(%run_scoped3A : memref<!tpu.dma_semaphore, #tpu.memory_space<semaphore_mem>>) src(%dma_wait3A_714 : memref<128xf32, #tpu.memory_space<vmem>>) dst(%dma_wait3A_712 : memref<128xf32, #tpu.memory_space<hbm>>)
          tpu.yield
        }) : () -> ()
      } else {
      }
    } else {
    }
    return
  }
}

module attributes {stable_mosaic.version = 14 : i64} {
  func.func @_mlp_body(%arg0: i32, %arg1: memref<8192x128xf32, #tpu.memory_space<vmem>>, %arg2: memref<64x128xf32, #tpu.memory_space<vmem>>, %arg3: memref<64x128xf32, #tpu.memory_space<vmem>>, %arg4: memref<1x64xf32, #tpu.memory_space<vmem>>, %arg5: memref<1x64xf32, #tpu.memory_space<vmem>>, %arg6: memref<1x64xf32, #tpu.memory_space<vmem>>, %arg7: memref<1x64xf32, #tpu.memory_space<vmem>>, %arg8: memref<1x1xf32, #tpu.memory_space<vmem>>, %arg9: memref<1x1xf32, #tpu.memory_space<vmem>>, %arg10: memref<64x128xf32, #tpu.memory_space<vmem>>, %arg11: memref<1x64xf32, #tpu.memory_space<vmem>>, %arg12: memref<1x64xf32, #tpu.memory_space<vmem>>, %arg13: memref<1x1xf32, #tpu.memory_space<vmem>>, %arg14: memref<64x128xf32, #tpu.memory_space<vmem>>, %arg15: memref<1x1xf32, #tpu.memory_space<vmem>>, %arg16: memref<64x128xf32, #tpu.memory_space<vmem>>, %arg17: memref<64x1xf32, #tpu.memory_space<vmem>>, %arg18: memref<64x1xf32, #tpu.memory_space<vmem>>, %arg19: memref<1x1xf32, #tpu.memory_space<vmem>>) attributes {dimension_semantics = [#tpu.dimension_semantics<arbitrary>], iteration_bounds = array<i64: 13>, scalar_prefetch = 0 : i64, scratch_operands = 4 : i64, tpu.core_type = #tpu.core_type<tc>, window_params = [{transform_indices = @transform_0, window_bounds = array<i64: 8192, 128>}, {pipeline_mode = #tpu.pipeline_mode<synchronous>, transform_indices = @transform_1, window_bounds = array<i64: 64, 128>}, {pipeline_mode = #tpu.pipeline_mode<synchronous>, transform_indices = @transform_2, window_bounds = array<i64: 64, 128>}, {pipeline_mode = #tpu.pipeline_mode<synchronous>, transform_indices = @transform_3, window_bounds = array<i64: 1, 64>}, {pipeline_mode = #tpu.pipeline_mode<synchronous>, transform_indices = @transform_4, window_bounds = array<i64: 1, 64>}, {pipeline_mode = #tpu.pipeline_mode<synchronous>, transform_indices = @transform_5, window_bounds = array<i64: 1, 64>}, {pipeline_mode = #tpu.pipeline_mode<synchronous>, transform_indices = @transform_6, window_bounds = array<i64: 1, 64>}, {pipeline_mode = #tpu.pipeline_mode<synchronous>, transform_indices = @transform_7, window_bounds = array<i64: 1, 1>}, {pipeline_mode = #tpu.pipeline_mode<synchronous>, transform_indices = @transform_8, window_bounds = array<i64: 1, 1>}, {pipeline_mode = #tpu.pipeline_mode<synchronous>, transform_indices = @transform_9, window_bounds = array<i64: 64, 128>}, {pipeline_mode = #tpu.pipeline_mode<synchronous>, transform_indices = @transform_10, window_bounds = array<i64: 1, 64>}, {pipeline_mode = #tpu.pipeline_mode<synchronous>, transform_indices = @transform_11, window_bounds = array<i64: 1, 64>}, {pipeline_mode = #tpu.pipeline_mode<synchronous>, transform_indices = @transform_12, window_bounds = array<i64: 1, 1>}, {transform_indices = @transform_13, window_bounds = array<i64: 64, 128>}, {pipeline_mode = #tpu.pipeline_mode<synchronous>, transform_indices = @transform_14, window_bounds = array<i64: 1, 1>}]} {
    %eq3A = arith.constant 0 : i32
    %eq3A_0 = arith.cmpi eq, %arg0, %eq3A : i32
    %convert_element_type3A = arith.extui %eq3A_0 : i1 to i32
    %cond3A = arith.constant 0 : i32
    %cond3A_1 = arith.cmpi ne, %convert_element_type3A, %cond3A : i32
    scf.if %cond3A_1 {
      %get3A_42 = arith.constant 0 : index
      %get3A_43 = arith.constant 0 : index
      %get3A_44 = vector.load %arg2[%get3A_42, %get3A_43] : memref<64x128xf32, #tpu.memory_space<vmem>>, vector<64x128xf32>
      %get3A_45 = arith.constant 0 : index
      %get3A_46 = arith.constant 0 : index
      %get3A_47 = vector.load %arg3[%get3A_45, %get3A_46] : memref<64x128xf32, #tpu.memory_space<vmem>>, vector<64x128xf32>
      %exp3A = math.exp %get3A_47 : vector<64x128xf32>
      %log1p3A = math.log1p %exp3A : vector<64x128xf32>
      %get3A_48 = arith.constant 0 : index
      %get3A_49 = arith.constant 0 : index
      %get3A_50 = vector.load %arg10[%get3A_48, %get3A_49] : memref<64x128xf32, #tpu.memory_space<vmem>>, vector<64x128xf32>
      %mul3A_51 = arith.mulf %log1p3A, %get3A_50 : vector<64x128xf32>
      %add3A_52 = arith.addf %get3A_44, %mul3A_51 : vector<64x128xf32>
      %swap3A_53 = arith.constant 0 : index
      %swap3A_54 = arith.constant 0 : index
      %swap3A_55 = vector.load %arg16[%swap3A_53, %swap3A_54] : memref<64x128xf32, #tpu.memory_space<vmem>>, vector<64x128xf32>
      tpu.vector_store %arg16[%swap3A_53, %swap3A_54], %add3A_52 {strides = array<i32>} : memref<64x128xf32, #tpu.memory_space<vmem>>, vector<64x128xf32>,
      %get3A_56 = arith.constant 0 : index
      %get3A_57 = arith.constant 0 : index
      %get3A_58 = vector.load %arg4[%get3A_56, %get3A_57] : memref<1x64xf32, #tpu.memory_space<vmem>>, vector<1x64xf32>
      %get3A_59 = arith.constant 0 : index
      %get3A_60 = arith.constant 0 : index
      %get3A_61 = vector.load %arg5[%get3A_59, %get3A_60] : memref<1x64xf32, #tpu.memory_space<vmem>>, vector<1x64xf32>
      %exp3A_62 = math.exp %get3A_61 : vector<1x64xf32>
      %log1p3A_63 = math.log1p %exp3A_62 : vector<1x64xf32>
      %get3A_64 = arith.constant 0 : index
      %get3A_65 = arith.constant 0 : index
      %get3A_66 = vector.load %arg11[%get3A_64, %get3A_65] : memref<1x64xf32, #tpu.memory_space<vmem>>, vector<1x64xf32>
      %mul3A_67 = arith.mulf %log1p3A_63, %get3A_66 : vector<1x64xf32>
      %add3A_68 = arith.addf %get3A_58, %mul3A_67 : vector<1x64xf32>
      %reshape3A_69 = vector.shape_cast %add3A_68 : vector<1x64xf32> to vector<64x1xf32>
      %swap3A_70 = arith.constant 0 : index
      %swap3A_71 = arith.constant 0 : index
      %swap3A_72 = vector.load %arg17[%swap3A_70, %swap3A_71] : memref<64x1xf32, #tpu.memory_space<vmem>>, vector<64x1xf32>
      tpu.vector_store %arg17[%swap3A_70, %swap3A_71], %reshape3A_69 {strides = array<i32>} : memref<64x1xf32, #tpu.memory_space<vmem>>, vector<64x1xf32>,
      %get3A_73 = arith.constant 0 : index
      %get3A_74 = arith.constant 0 : index
      %get3A_75 = vector.load %arg7[%get3A_73, %get3A_74] : memref<1x64xf32, #tpu.memory_space<vmem>>, vector<1x64xf32>
      %exp3A_76 = math.exp %get3A_75 : vector<1x64xf32>
      %log1p3A_77 = math.log1p %exp3A_76 : vector<1x64xf32>
      %get3A_78 = arith.constant 0 : index
      %get3A_79 = arith.constant 0 : index
      %get3A_80 = vector.load %arg9[%get3A_78, %get3A_79] : memref<1x1xf32, #tpu.memory_space<vmem>>, vector<1x1xf32>
      %exp3A_81 = math.exp %get3A_80 : vector<1x1xf32>
      %log1p3A_82 = math.log1p %exp3A_81 : vector<1x1xf32>
      %get3A_83 = arith.constant 0 : index
      %get3A_84 = arith.constant 0 : index
      %get3A_85 = vector.load %arg6[%get3A_83, %get3A_84] : memref<1x64xf32, #tpu.memory_space<vmem>>, vector<1x64xf32>
      %get3A_86 = arith.constant 0 : index
      %get3A_87 = arith.constant 0 : index
      %get3A_88 = vector.load %arg12[%get3A_86, %get3A_87] : memref<1x64xf32, #tpu.memory_space<vmem>>, vector<1x64xf32>
      %mul3A_89 = arith.mulf %log1p3A_77, %get3A_88 : vector<1x64xf32>
      %add3A_90 = arith.addf %get3A_85, %mul3A_89 : vector<1x64xf32>
      %reshape3A_91 = vector.shape_cast %add3A_90 : vector<1x64xf32> to vector<64x1xf32>
      %swap3A_92 = arith.constant 0 : index
      %swap3A_93 = arith.constant 0 : index
      %swap3A_94 = vector.load %arg18[%swap3A_92, %swap3A_93] : memref<64x1xf32, #tpu.memory_space<vmem>>, vector<64x1xf32>
      tpu.vector_store %arg18[%swap3A_92, %swap3A_93], %reshape3A_91 {strides = array<i32>} : memref<64x1xf32, #tpu.memory_space<vmem>>, vector<64x1xf32>,
      %get3A_95 = arith.constant 0 : index
      %get3A_96 = arith.constant 0 : index
      %get3A_97 = vector.load %arg8[%get3A_95, %get3A_96] : memref<1x1xf32, #tpu.memory_space<vmem>>, vector<1x1xf32>
      %get3A_98 = arith.constant 0 : index
      %get3A_99 = arith.constant 0 : index
      %get3A_100 = vector.load %arg13[%get3A_98, %get3A_99] : memref<1x1xf32, #tpu.memory_space<vmem>>, vector<1x1xf32>
      %mul3A_101 = arith.mulf %log1p3A_82, %get3A_100 : vector<1x1xf32>
      %add3A_102 = arith.addf %get3A_97, %mul3A_101 : vector<1x1xf32>
      %swap3A_103 = arith.constant 0 : index
      %swap3A_104 = arith.constant 0 : index
      %swap3A_105 = vector.load %arg19[%swap3A_103, %swap3A_104] : memref<1x1xf32, #tpu.memory_space<vmem>>, vector<1x1xf32>
      tpu.vector_store %arg19[%swap3A_103, %swap3A_104], %add3A_102 {strides = array<i32>} : memref<1x1xf32, #tpu.memory_space<vmem>>, vector<1x1xf32>,
      %log3A = math.log %log1p3A_77 : vector<1x64xf32>
      %neg3A = arith.constant 0.000000e+00 : f32
      %neg3A_106 = vector.broadcast %neg3A : f32 to vector<1x64xf32>
      %neg3A_107 = arith.subf %neg3A_106, %log3A : vector<1x64xf32>
      %mul3A_108 = arith.mulf %log1p3A_77, %log1p3A_77 : vector<1x64xf32>
      %get3A_109 = arith.constant 0 : index
      %get3A_110 = arith.constant 0 : index
      %get3A_111 = vector.load %arg6[%get3A_109, %get3A_110] : memref<1x64xf32, #tpu.memory_space<vmem>>, vector<1x64xf32>
      %integer_pow3A = arith.mulf %get3A_111, %get3A_111 : vector<1x64xf32>
      %add3A_112 = arith.addf %mul3A_108, %integer_pow3A : vector<1x64xf32>
      %mul3A_113 = arith.constant 5.000000e-01 : f32
      %mul3A_114 = vector.broadcast %mul3A_113 : f32 to vector<1x64xf32>
      %mul3A_115 = arith.mulf %mul3A_114, %add3A_112 : vector<1x64xf32>
      %add3A_116 = arith.addf %neg3A_107, %mul3A_115 : vector<1x64xf32>
      %sub3A = arith.constant 5.000000e-01 : f32
      %sub3A_117 = vector.broadcast %sub3A : f32 to vector<1x64xf32>
      %sub3A_118 = arith.subf %add3A_116, %sub3A_117 : vector<1x64xf32>
      %reduce_sum3A_119 = vector.shape_cast %sub3A_118 : vector<1x64xf32> to vector<1x1x64xf32>
      %reduce_sum3A_120 = arith.constant dense<0.000000e+00> : vector<1xf32>
      %reduce_sum3A_121 = vector.multi_reduction <add>, %reduce_sum3A_119, %reduce_sum3A_120 [1, 2] : vector<1x1x64xf32> to vector<1xf32>
      %reduce_sum3A_122 = vector.shape_cast %reduce_sum3A_121 : vector<1xf32> to vector<1x1x1xf32>
      %reduce_sum3A_123 = vector.extract %reduce_sum3A_122[0, 0, 0] : f32 from vector<1x1x1xf32>
      %log3A_124 = math.log %log1p3A_82 : vector<1x1xf32>
      %neg3A_125 = arith.constant 0.000000e+00 : f32
      %neg3A_126 = vector.broadcast %neg3A_125 : f32 to vector<1x1xf32>
      %neg3A_127 = arith.subf %neg3A_126, %log3A_124 : vector<1x1xf32>
      %mul3A_128 = arith.mulf %log1p3A_82, %log1p3A_82 : vector<1x1xf32>
      %get3A_129 = arith.constant 0 : index
      %get3A_130 = arith.constant 0 : index
      %get3A_131 = vector.load %arg8[%get3A_129, %get3A_130] : memref<1x1xf32, #tpu.memory_space<vmem>>, vector<1x1xf32>
      %integer_pow3A_132 = arith.mulf %get3A_131, %get3A_131 : vector<1x1xf32>
      %add3A_133 = arith.addf %mul3A_128, %integer_pow3A_132 : vector<1x1xf32>
      %mul3A_134 = arith.constant 5.000000e-01 : f32
      %mul3A_135 = vector.broadcast %mul3A_134 : f32 to vector<1x1xf32>
      %mul3A_136 = arith.mulf %mul3A_135, %add3A_133 : vector<1x1xf32>
      %add3A_137 = arith.addf %neg3A_127, %mul3A_136 : vector<1x1xf32>
      %sub3A_138 = arith.constant 5.000000e-01 : f32
      %sub3A_139 = vector.broadcast %sub3A_138 : f32 to vector<1x1xf32>
      %sub3A_140 = arith.subf %add3A_137, %sub3A_139 : vector<1x1xf32>
      %reduce_sum3A_141 = vector.shape_cast %sub3A_140 : vector<1x1xf32> to vector<1x1x1xf32>
      %reduce_sum3A_142 = arith.constant dense<0.000000e+00> : vector<1xf32>
      %reduce_sum3A_143 = vector.multi_reduction <add>, %reduce_sum3A_141, %reduce_sum3A_142 [1, 2] : vector<1x1x1xf32> to vector<1xf32>
      %reduce_sum3A_144 = vector.shape_cast %reduce_sum3A_143 : vector<1xf32> to vector<1x1x1xf32>
      %reduce_sum3A_145 = vector.extract %reduce_sum3A_144[0, 0, 0] : f32 from vector<1x1x1xf32>
      %add3A_146 = arith.addf %reduce_sum3A_123, %reduce_sum3A_145 : f32
      %reshape3A_147 = vector.broadcast %add3A_146 : f32 to vector<1x1xf32>
      %swap3A_148 = arith.constant 0 : index
      %swap3A_149 = arith.constant 0 : index
      %swap3A_150 = vector.load %arg15[%swap3A_148, %swap3A_149] : memref<1x1xf32, #tpu.memory_space<vmem>>, vector<1x1xf32>
      tpu.vector_store %arg15[%swap3A_148, %swap3A_149], %reshape3A_147 {strides = array<i32>} : memref<1x1xf32, #tpu.memory_space<vmem>>, vector<1x1xf32>,
    } else {
    }
    %get3A = arith.constant 0 : index
    %get3A_2 = arith.constant 0 : index
    %get3A_3 = vector.load %arg16[%get3A, %get3A_2] : memref<64x128xf32, #tpu.memory_space<vmem>>, vector<64x128xf32>
    %get3A_4 = arith.constant 0 : index
    %get3A_5 = arith.constant 0 : index
    %get3A_6 = vector.load %arg1[%get3A_4, %get3A_5] : memref<8192x128xf32, #tpu.memory_space<vmem>>, vector<8192x128xf32>
    %dot_general3A = arith.constant dense<0.000000e+00> : vector<64x8192xf32>
    %dot_general3A_7 = tpu.matmul %get3A_3, %get3A_6, %dot_general3A {dimension_numbers = #tpu.dot_dimension_numbers<[1], [1], [0], [0], [0, 0, 1, 0], [], []>, transpose_lhs_hint = false} : vector<64x128xf32>, vector<8192x128xf32>, vector<64x8192xf32> -> vector<64x8192xf32>
    %get3A_8 = arith.constant 0 : index
    %get3A_9 = arith.constant 0 : index
    %get3A_10 = vector.load %arg17[%get3A_8, %get3A_9] : memref<64x1xf32, #tpu.memory_space<vmem>>, vector<64x1xf32>
    %add3A = vector.broadcast %get3A_10 : vector<64x1xf32> to vector<64x8192xf32>
    %add3A_11 = arith.addf %dot_general3A_7, %add3A : vector<64x8192xf32>
    %logistic3A = arith.negf %add3A_11 : vector<64x8192xf32>
    %logistic3A_12 = math.exp %logistic3A : vector<64x8192xf32>
    %logistic3A_13 = arith.constant 1.000000e+00 : f32
    %logistic3A_14 = vector.broadcast %logistic3A_13 : f32 to vector<64x8192xf32>
    %logistic3A_15 = arith.addf %logistic3A_14, %logistic3A_12 : vector<64x8192xf32>
    %logistic3A_16 = arith.divf %logistic3A_14, %logistic3A_15 : vector<64x8192xf32>
    %mul3A = arith.mulf %add3A_11, %logistic3A_16 : vector<64x8192xf32>
    %get3A_17 = arith.constant 0 : index
    %get3A_18 = arith.constant 0 : index
    %get3A_19 = vector.load %arg18[%get3A_17, %get3A_18] : memref<64x1xf32, #tpu.memory_space<vmem>>, vector<64x1xf32>
    %mul3A_20 = vector.broadcast %get3A_19 : vector<64x1xf32> to vector<64x8192xf32>
    %mul3A_21 = arith.mulf %mul3A, %mul3A_20 : vector<64x8192xf32>
    %reduce_sum3A = arith.constant dense<0.000000e+00> : vector<8192xf32>
    %reduce_sum3A_22 = vector.multi_reduction <add>, %mul3A_21, %reduce_sum3A [0] : vector<64x8192xf32> to vector<8192xf32>
    %broadcast_in_dim3A = vector.shape_cast %reduce_sum3A_22 : vector<8192xf32> to vector<1x8192xf32>
    %get3A_23 = arith.constant 0 : index
    %get3A_24 = arith.constant 0 : index
    %get3A_25 = vector.load %arg19[%get3A_23, %get3A_24] : memref<1x1xf32, #tpu.memory_space<vmem>>, vector<1x1xf32>
    %add3A_26 = vector.broadcast %get3A_25 : vector<1x1xf32> to vector<1x8192xf32>
    %add3A_27 = arith.addf %broadcast_in_dim3A, %add3A_26 : vector<1x8192xf32>
    %reshape3A = vector.shape_cast %add3A_27 : vector<1x8192xf32> to vector<64x128xf32>
    %mul3A_28 = arith.constant 64 : i32
    %mul3A_29 = arith.muli %arg0, %mul3A_28 : i32
    %iota3A = tpu.iota {dimensions = array<i32: 0>} : vector<64x128xi32>
    %add3A_30 = vector.broadcast %mul3A_29 : i32 to vector<64x128xi32>
    %add3A_31 = arith.addi %add3A_30, %iota3A : vector<64x128xi32>
    %mul3A_32 = arith.constant 128 : i32
    %mul3A_33 = vector.broadcast %mul3A_32 : i32 to vector<64x128xi32>
    %mul3A_34 = arith.muli %add3A_31, %mul3A_33 : vector<64x128xi32>
    %iota3A_35 = tpu.iota {dimensions = array<i32: 1>} : vector<64x128xi32>
    %add3A_36 = arith.addi %mul3A_34, %iota3A_35 : vector<64x128xi32>
    %lt3A = arith.constant 100000 : i32
    %lt3A_37 = vector.broadcast %lt3A : i32 to vector<64x128xi32>
    %lt3A_38 = arith.cmpi slt, %add3A_36, %lt3A_37 : vector<64x128xi32>
    %jit3A = arith.constant 0.000000e+00 : f32
    %broadcast_in_dim3A_39 = vector.broadcast %jit3A : f32 to vector<64x128xf32>
    %select_n3A = arith.select %lt3A_38, %reshape3A, %broadcast_in_dim3A_39 : vector<64x128xi1>, vector<64x128xf32>
    %swap3A = arith.constant 0 : index
    %swap3A_40 = arith.constant 0 : index
    %swap3A_41 = vector.load %arg14[%swap3A, %swap3A_40] : memref<64x128xf32, #tpu.memory_space<vmem>>, vector<64x128xf32>
    tpu.vector_store %arg14[%swap3A, %swap3A_40], %select_n3A {strides = array<i32>} : memref<64x128xf32, #tpu.memory_space<vmem>>, vector<64x128xf32>,
    return
  }
  func.func @transform_0(%arg0: i32) -> (i32, i32) {
    %c0_i32 = arith.constant 0 : i32
    %c0_i32_0 = arith.constant 0 : i32
    return %arg0, %c0_i32 : i32, i32
  }
  func.func @transform_1(%arg0: i32) -> (i32, i32) {
    %c0_i32 = arith.constant 0 : i32
    %c0_i32_0 = arith.constant 0 : i32
    %c0_i32_1 = arith.constant 0 : i32
    return %c0_i32, %c0_i32_0 : i32, i32
  }
  func.func @transform_2(%arg0: i32) -> (i32, i32) {
    %c0_i32 = arith.constant 0 : i32
    %c0_i32_0 = arith.constant 0 : i32
    %c0_i32_1 = arith.constant 0 : i32
    return %c0_i32, %c0_i32_0 : i32, i32
  }
  func.func @transform_3(%arg0: i32) -> (i32, i32) {
    %c0_i32 = arith.constant 0 : i32
    %c0_i32_0 = arith.constant 0 : i32
    %c0_i32_1 = arith.constant 0 : i32
    return %c0_i32, %c0_i32_0 : i32, i32
  }
  func.func @transform_4(%arg0: i32) -> (i32, i32) {
    %c0_i32 = arith.constant 0 : i32
    %c0_i32_0 = arith.constant 0 : i32
    %c0_i32_1 = arith.constant 0 : i32
    return %c0_i32, %c0_i32_0 : i32, i32
  }
  func.func @transform_5(%arg0: i32) -> (i32, i32) {
    %c0_i32 = arith.constant 0 : i32
    %c0_i32_0 = arith.constant 0 : i32
    %c0_i32_1 = arith.constant 0 : i32
    return %c0_i32, %c0_i32_0 : i32, i32
  }
  func.func @transform_6(%arg0: i32) -> (i32, i32) {
    %c0_i32 = arith.constant 0 : i32
    %c0_i32_0 = arith.constant 0 : i32
    %c0_i32_1 = arith.constant 0 : i32
    return %c0_i32, %c0_i32_0 : i32, i32
  }
  func.func @transform_7(%arg0: i32) -> (i32, i32) {
    %c0_i32 = arith.constant 0 : i32
    %c0_i32_0 = arith.constant 0 : i32
    %c0_i32_1 = arith.constant 0 : i32
    return %c0_i32, %c0_i32_0 : i32, i32
  }
  func.func @transform_8(%arg0: i32) -> (i32, i32) {
    %c0_i32 = arith.constant 0 : i32
    %c0_i32_0 = arith.constant 0 : i32
    %c0_i32_1 = arith.constant 0 : i32
    return %c0_i32, %c0_i32_0 : i32, i32
  }
  func.func @transform_9(%arg0: i32) -> (i32, i32) {
    %c0_i32 = arith.constant 0 : i32
    %c0_i32_0 = arith.constant 0 : i32
    %c0_i32_1 = arith.constant 0 : i32
    return %c0_i32, %c0_i32_0 : i32, i32
  }
  func.func @transform_10(%arg0: i32) -> (i32, i32) {
    %c0_i32 = arith.constant 0 : i32
    %c0_i32_0 = arith.constant 0 : i32
    %c0_i32_1 = arith.constant 0 : i32
    return %c0_i32, %c0_i32_0 : i32, i32
  }
  func.func @transform_11(%arg0: i32) -> (i32, i32) {
    %c0_i32 = arith.constant 0 : i32
    %c0_i32_0 = arith.constant 0 : i32
    %c0_i32_1 = arith.constant 0 : i32
    return %c0_i32, %c0_i32_0 : i32, i32
  }
  func.func @transform_12(%arg0: i32) -> (i32, i32) {
    %c0_i32 = arith.constant 0 : i32
    %c0_i32_0 = arith.constant 0 : i32
    %c0_i32_1 = arith.constant 0 : i32
    return %c0_i32, %c0_i32_0 : i32, i32
  }
  func.func @transform_13(%arg0: i32) -> (i32, i32) {
    %c0_i32 = arith.constant 0 : i32
    %c0_i32_0 = arith.constant 0 : i32
    return %arg0, %c0_i32 : i32, i32
  }
  func.func @transform_14(%arg0: i32) -> (i32, i32) {
    %c0_i32 = arith.constant 0 : i32
    %c0_i32_0 = arith.constant 0 : i32
    %c0_i32_1 = arith.constant 0 : i32
    return %c0_i32, %c0_i32_0 : i32, i32
  }
}

</mosaic_0001>

<sc_bundles>
// kernel: kernel.4.cloned.1.call-start
scs
__scs_entry_jumppad:
0x0: {  	(pc) =	sbr.rel $0x88, $3  }
0x1: {  	(tag) =	ssettag $0x0;
	lr =	simm.s32 $0x1  }
0x2: {  	[smem:$0x3F93] =	sst lr;
	_ =	strace $0xD0000000  }
0x3: {  	_ = 	snop  }
0x4: {  	_ = 	snop  }
0x5: {  	_ = 	snop  }
0x6: {  	_ = 	snop  }
0x7: {  	_ = 	snop  }
__scs_overlays_trampoline_lowered:
0x8: {  	[smem:$0x3FA2] =	sst s0  }
0x9: {  	[smem:$0x3FA3] =	sst s1  }
0xa: {  	[smem:$0x3FA4] =	sst s2  }
0xb: {  	[smem:$0x3FA5] =	sst s3  }
0xc: {  	[smem:$0x3FA6] =	sst s4  }
0xd: {  	[smem:$0x3FA7] =	sst s5  }
0xe: {  	[smem:$0x3FA8] =	sst s6  }
0xf: {  	[smem:$0x3FA9] =	sst s7  }
0x10: {  	[smem:$0x3FAA] =	sst s8  }
0x11: {  	[smem:$0x3FAB] =	sst s9;
	s0 =	simm.s32 @!p0 $0x0  }
0x12: {  	s1 =	sld [smem:$0x3F91];
	s0 =	simm.s32 @p0 $0x1  }
0x13: {  	[smem:$0x3FAC] =	sst s0;
	s0 =	simm.s32 @!p1 $0x0  }
0x14: {  	s2 =	sld [smem:$0x3F90];
	s0 =	simm.s32 @p1 $0x1  }
0x15: {  	[smem:$0x3FAD] =	sst s0;
	s0 =	simm.s32 @!p2 $0x0  }
0x16: {  	s3 =	sld [smem:$0x3FDB];
	s0 =	simm.s32 @p2 $0x1  }
0x17: {  	s4 =	simm.s32 $0x1BF5;
	[smem:$0x3FAF] =	sst s0  }
0x18: {  	s0 =	sld [smem:$0x3F92];
	_ =	swait.ge [sflag:s4], $0x0  }
0x19: {  	s7 =	sld [smem:$0x3F93]  }
0x1a: {  	s8 =	sadd.s32 $0xFFFFE003, lr  }
0x1b: {  	s9 =	sadd.s32 $0xFFFFFEF7, lr;
	s5 =	simm.s32 $0xFFFFFFFF;
	p2 =	slt.u32 s8, $0xFFFFF086  }
0x1c: {  	p1 =	slt.u32 s9, $0xF7A;
	s5 =	simm.s32 @!p2 $0x0  }
0x1d: {  	s5 =	simm.s32 @p1 $0x1;
	p0 =	seq.s32 s7, s2  }
0x1e: {  	s7 =	smul.u32 @!p0 $0xF7A, s2;
	p2 =	seq.s32 @!p0 s5, $0x0  }
0x1f: {  	s9 =	smul.u32 $0xF7A, s1;
	s8 =	simm.s32 @!p0 $0x1BF5;
	p2 =	por !p2, p0  }
0x20: {  	[sflag:s8] =	ssyncset.s32 @!p0 $0xFFFFF086;
	s6 =	sadd.s32 @!p0 s3, s7;
	s7 =	simm.s32 @!p0 $0x108  }
0x21: {  	s3 =	sadd.s32 s3, s9;
	s6 =	sadd.s32 @!p0 $0x88, s6;
	s7 =	simm.s32 @p2 $0x1082  }
0x22: {  	[simem:s7], [sflag:s8] =	dma.local @!p0 [hbm:s6], $0xF7A  }
0x23: {  	s9 =	sor.u32 $0xD0000000, s2;
	s6 =	simm.s32 $0x108;
	_ =	swait.ge @!p0 [sflag:s8], $0x0  }
0x24: {  	s3 =	sadd.s32 $0x88, s3;
	s6 =	simm.s32 @!p1 $0x1082;
	[sflag:s4] =	ssyncset.s32 $0xFFFFF086  }
0x25: {  	[simem:s6], [sflag:s4] =	dma.local [hbm:s3], $0xF7A  }
0x26: {  	[smem:$0x3F93] =	sst s1;
	(tag) =	ssettag s2;
	_ =	strace s9  }
0x27: {  	s1 =	sld [smem:$0x3FA3]  }
0x28: {  	s2 =	sld [smem:$0x3FA4]  }
0x29: {  	s4 =	sld [smem:$0x3FA6]  }
0x2a: {  	p0 =	seq.s32 s5, $0x0;
	s5 =	sld [smem:$0x3FA7]  }
0x2b: {  	s6 =	sld [smem:$0x3FA8]  }
0x2c: {  	s7 =	sld [smem:$0x3FA9]  }
0x2d: {  	s3 =	simm.s32 $0x108;
	s8 =	sld [smem:$0x3FAA]  }
0x2e: {  	s3 =	simm.s32 @!p0 $0x1082;
	s9 =	sld [smem:$0x3FAB]  }
0x2f: {  	lr =	sadd.s32 s0, s3;
	s0 =	sld [smem:$0x3FA2]  }
0x30: {  	s3 =	sld [smem:$0x3FA5]  }
0x31: {  	[smem:$0x3FAE] =	sst s10  }
0x32: {  	s10 =	sld [smem:$0x3FAC];
	_ =	sdelay $0x3  }
0x33: {  	p0 =	seq.s32 s10, $0x1;
	s10 =	sld [smem:$0x3FAE];
	_ =	sdelay $0x3  }
0x34: {  	[smem:$0x3FAE] =	sst s10  }
0x35: {  	s10 =	sld [smem:$0x3FAD];
	_ =	sdelay $0x3  }
0x36: {  	p1 =	seq.s32 s10, $0x1;
	s10 =	sld [smem:$0x3FAE];
	_ =	sdelay $0x3  }
0x37: {  	[smem:$0x3FAE] =	sst s10  }
0x38: {  	s10 =	sld [smem:$0x3FAF]  }
0x39: {  	_ = 	snop;
	(pc) =	sbr.ind lr, $3  }
0x3a: {  	_ = 	snop  }
0x3b: {  	_ = 	snop  }
0x3c: {  	p2 =	seq.s32 s10, $0x1;
	s10 =	sld [smem:$0x3FAE]  }
0x3d: {  	_ =	shalt  }
0x3e: {  	_ =	shalt  }
0x3f: {  	_ =	shalt  }
0x40: {  	_ =	shalt  }
0x41: {  	_ =	shalt  }
0x42: {  	_ =	shalt  }
0x43: {  	_ =	shalt  }
0x44: {  	_ =	shalt  }
0x45: {  	_ =	shalt  }
0x46: {  	_ =	shalt  }
0x47: {  	_ =	shalt  }
0x48: {  	_ =	shalt  }
0x49: {  	_ =	shalt  }
0x4a: {  	_ =	shalt  }
0x4b: {  	_ =	shalt  }
0x4c: {  	_ =	shalt  }
0x4d: {  	_ =	shalt  }
0x4e: {  	_ =	shalt  }
0x4f: {  	_ =	shalt  }
0x50: {  	_ =	shalt  }
0x51: {  	_ =	shalt  }
0x52: {  	_ =	shalt  }
0x53: {  	_ =	shalt  }
0x54: {  	_ =	shalt  }
0x55: {  	_ =	shalt  }
0x56: {  	_ =	shalt  }
0x57: {  	_ =	shalt  }
0x58: {  	_ =	shalt  }
0x59: {  	_ =	shalt  }
0x5a: {  	_ =	shalt  }
0x5b: {  	_ =	shalt  }
0x5c: {  	_ =	shalt  }
0x5d: {  	_ =	shalt  }
0x5e: {  	_ =	shalt  }
0x5f: {  	_ =	shalt  }
0x60: {  	_ =	shalt  }
0x61: {  	_ =	shalt  }
0x62: {  	_ =	shalt  }
0x63: {  	_ =	shalt  }
0x64: {  	_ =	shalt  }
0x65: {  	_ =	shalt  }
0x66: {  	_ =	shalt  }
0x67: {  	_ =	shalt  }
0x68: {  	_ =	shalt  }
0x69: {  	_ =	shalt  }
0x6a: {  	_ =	shalt  }
0x6b: {  	_ =	shalt  }
0x6c: {  	_ =	shalt  }
0x6d: {  	_ =	shalt  }
0x6e: {  	_ =	shalt  }
0x6f: {  	_ =	shalt  }
0x70: {  	_ =	shalt  }
0x71: {  	_ =	shalt  }
0x72: {  	_ =	shalt  }
0x73: {  	_ =	shalt  }
0x74: {  	_ =	shalt  }
0x75: {  	_ =	shalt  }
0x76: {  	_ =	shalt  }
0x77: {  	_ =	shalt  }
0x78: {  	_ =	shalt  }
0x79: {  	_ =	shalt  }
0x7a: {  	_ =	shalt  }
0x7b: {  	_ =	shalt  }
0x7c: {  	_ =	shalt  }
0x7d: {  	_ =	shalt  }
0x7e: {  	_ =	shalt  }
0x7f: {  	_ =	shalt  }
0x80: {  	_ =	shalt  }
0x81: {  	_ =	shalt  }
0x82: {  	_ =	shalt  }
0x83: {  	_ =	shalt  }
0x84: {  	_ =	shalt  }
0x85: {  	_ =	shalt  }
0x86: {  	_ =	shalt  }
0x87: {  	_ =	shalt  }
.Lfunc_end0:
.L_simem_size_0:
called_computation_lowered:
.L_overlay_start_0:
0x88: {  	s2 =	sld [smem:$0x3FD9]  }
0x89: {  	s3 =	sld [smem:$0x3FFE];
	_ =	sdelay $0x1  }
0x8a: {  	s1 =	srdreg.scid  }
0x8b: {  	s0 =	sand.u32 $0x1, s1  }
0x8c: {  	s14 =	sshll.u32 s0, $0xA;
	s2 =	sadd.s32 s3, s2  }
0x8d: {  	s2 =	sadd.s32 s2, s14  }
0x8e: {  	[smem:$0x3FBA] =	sst s2  }
0x8f: {  	_ = 	snop  }
0x90: {  	s2 =	sld [smem:$0x3FD0];
	_ =	sdelay $0x2  }
0x91: {  	s4 =	simm.s32 $0xA;
	s5 =	simm.s32 $0x10;
	s15 =	sld [smem:$0x3FC8]  }
0x92: {  	[smem:s5], [sflag:s4] =	dma.local [hbm:s2], $0x1  }
0x93: {  	_ =	swait.eq [sflag:s4], $0x1  }
0x94: {  	[sflag:s4] =	ssyncset.done $0x0  }
0x95: {  	[sflag:s4] =	ssyncadd.s32 $0xFFFFFFFF  }
0x96: {  	s16 =	sld [smem:$0x10];
	(tm) =	ssettm $0x1  }
0x97: {  	s17 =	sld [smem:$0x3FFB];
	_ =	sdelay $0x3  }
0x98: {  	_ =	strace s17  }
0x99: {  	s4 =	sld [smem:$0x3FFC];
	_ =	sdelay $0x3  }
0x9a: {  	_ =	strace s4  }
0x9b: {  	s4 =	sld [smem:$0x3FFD];
	_ =	sdelay $0x3  }
0x9c: {  	_ =	strace s4  }
0x9d: {  	_ =	strace $0x8FFFFFFF  }
0x9e: {  	s18 =	sld [smem:$0x3FDB];
	_ =	sdelay $0x1  }
0x9f: {  	s19 =	simm.s32 $_scs_section_size  }
0xa0: {  	s6 =	simm.s32 $_size__tile_overlayer_lowered;
	s7 =	simm.s32 $_tile_overlayer_lowered  }
0xa1: {  	s22 =	simm.s32 $0x1BFF;
	s21 =	sshll.u32 s7, $0x1;
	s4 =	sadd.s32 s19, s18  }
0xa2: {  	s8 =	simm.s32 $0x0;
	s20 =	sshll.u32 s6, $0x1;
	s6 =	sadd.s32 s21, s4  }
0xa3: {  	[timem:s8], [sflag:s22] =	dma.local [hbm:s6], s20  }
0xa4: {  	_ =	swait.ge [sflag:s22], s20  }
0xa5: {  	s5 =	ssub.s32 $0x0, s20;
	[sflag:s22] =	ssyncset.done $0x0  }
0xa6: {  	[sflag:s22] =	ssyncadd.s32 s5;
	_ =	sdelay $0x1  }
0xa7: {  	s23 =	simm.s32 $0x1B8B  }
0xa8: {  	_ =	swait.ge [sflag:s23], $0x1  }
0xa9: {  	[sflag:s23] =	ssyncset.done $0x0  }
0xaa: {  	s25 =	simm.s32 $0x1B8E;
	s24 =	sld [smem:$0x3FFE];
	[sflag:s23] =	ssyncadd.s32 $0xFFFFFFFF  }
0xab: {  	s26 =	simm.s32 $execute0_lowered;
	[smem:$0x3FD2] =	sst s25  }
0xac: {  	s6 =	sshll.u32 s26, $0x1;
	_ =	strace $0x80000046;
	[dreg:$0x1] =	wrdreg $0xFFFFFFFF  }
0xad: {  	s28 =	simm.s32 $_size_execute0_lowered;
	s4 =	sadd.s32 s4, s6;
	[dreg:$0x0] =	wrdreg $0x0  }
0xae: {  	s6 =	sshll.u32 s28, $0x1;
	[dreg:$0x2] =	wrdreg s4  }
0xaf: {  	[dreg:$0x3] =	wrdreg s6  }
0xb0: {  	[dreg:$0x4] =	wrdreg $0xC0  }
0xb1: {  	_ =	task [dreg:s8], $0x5FFFF  }
0xb2: {  	[dreg:$0x1] =	wrdreg $0xFFFFFFFF  }
0xb3: {  	[dreg:$0x0] =	wrdreg $0x60  }
0xb4: {  	[dreg:$0x2] =	wrdreg s24  }
0xb5: {  	[dreg:$0x3] =	wrdreg s15  }
0xb6: {  	[dreg:$0x4] =	wrdreg s16  }
0xb7: {  	[dreg:$0x5] =	wrdreg $0x83000  }
0xb8: {  	[dreg:$0x6] =	wrdreg $0x9  }
0xb9: {  	_ =	task.clear_ibuf [dreg:s8], $0x7FFFF;
	_ =	strace $0x90000046  }
0xba: {  	s29 =	simm.s32 $0x9;
	_ =	strace $0x80000048  }
0xbb: {  	_ =	swait.ge [sflag:s29], $0x1  }
0xbc: {  	[sflag:s29] =	ssyncadd.s32 $0xFFFFFFFF  }
0xbd: {  	_ =	strace $0x90000048  }
0xbe: {  	_ =	sfence  }
0xbf: {  	s30 =	sld [smem:$0x0];
	_ =	sdelay $0x2  }
0xc0: {  	s31 =	sshll.u32 s1, $0xD;
	s1 =	sshrl.u32 s1, $0x2  }
0xc1: {  	s3 =	sand.u32 $0x4000, s31;
	s1 =	sadd.s32 s1, s30  }
0xc2: {  	s0 =	sor.u32 s3, s0;
	s1 =	sshll.u32 s1, $0x11  }
0xc3: {  	s0 =	sor.u32 s1, s0  }
0xc4: {  	s0 =	sadd.s32 $0x8F2B, s0  }
0xc5: {  	[sflag:s0] =	ssyncadd.remote.s32 $0x1  }
0xc6: {  	_ =	sfence.sel $0xFFFF  }
0xc7: {  	[dreg:$0x0] =	wrdreg $0xFFFFFFFF;
	(pc) =	sbr.abs _section_cstart, $3  }
0xc8: {  	[dreg:$0x1] =	wrdreg $0xFFFFFFFF  }
0xc9: {  	_ =	task.clear_ibuf [dreg:s8], $0x2FFFF;
	_ =	strace $0x9FFFFFFF  }
0xca: {  	(tm) =	ssettm $0x7FFFFFFF  }
0xcb: {  	_ =	shalt  }
tec
execute0_lowered:
.L_overlay_start_1:
0x0: {  	(tag) =	ssettag $0x1  }
0x1: {  	s1 =	srdreg.scid  }
0x2: {  	s1 =	sand.u32 $0x1, s1  }
0x3: {  	s5 =	rddreg [dreg:$0x0];
	p0 =	seq.s32 s1, $0x1  }
.Ltmp0:
0x4: {  	s4 =	rddreg [dreg:$0x1];
	(pc) =	sbr.rel @p0 .LBB2_13-.Ltmp0, $4  }
0x5: {  	s2 =	rddreg [dreg:$0x2]  }
0x6: {  	s3 =	rddreg [dreg:$0x3];
	s6 =	simm.s32 $0x0  }
0x7: {  	[smem:$0x7FF] =	sst s6  }
0x8: {  	s0 =	rddreg [dreg:$0x4];
	_ =	strace $0x80000047;
	s1 =	stileid.u32  }
0x9: {  	s7 =	smul.u32 $0x300, s1  }
0xa: {  	s5 =	sadd.s32 $0x1A00, s5  }
0xb: {  	s8 =	sadd.s32 s5, s7  }
0xc: {  	[tilespmem:s6], [sflag:$0x1] =	stream.linear.gather [hbm4b:s8+s6], $0x1800, $0x38;
	[tilespmem:$0x8700] =	vst v63  }
0xd: {  	s28 =	simm.s32 $0x1800;
	s7 =	sadd.s32 s4, s7  }
0xe: {  	[tilespmem:s28], [sflag:$0x1] =	stream.linear.gather [hbm4b:s7+s6], $0x1800, $0x38;
	[tilespmem:$0x8700] =	vst v63  }
0xf: {  	v0 =	vimm.f32 $0.0e+00;
	s7 =	simm.s32 $0x3740  }
0x10: {  	[tilespmem:s7+$0xFFFFFFC0] =	vst v0  }
0x11: {  	[tilespmem:s7+$0x30] =	vst v0  }
0x12: {  	s29 =	smul.u32 $0x350, s1;
	s30 =	sshll.u32 s1, $0xA;
	s10 =	sshll.u32 s1, $0x7;
	[tilespmem:s7+$0x20] =	vst v0  }
0x13: {  	s31 =	sshll.u32 s1, $0x4;
	s9 =	sand.u32 $0x2000, s30;
	s10 =	sand.u32 $0x380, s10;
	[tilespmem:s7+$0x10] =	vst v0  }
0x14: {  	s2 =	sadd.s32 s2, s31;
	s9 =	sadd.s32 s9, s3;
	s6 =	sshrl.u32 s29, $0x3;
	[tilespmem:s7+$0x0] =	vst v0  }
0x15: {  	s3 =	sadd.s32 s30, s3;
	s8 =	simm.s32 $0x0;
	s6 =	sadd.s32 $0x2A34, s6;
	[tilespmem:s7+$0xFFFFFFF0] =	vst v0  }
0x16: {  	[tilespmem:s7+$0xFFFFFFE0] =	vst v0;
	s5 =	sadd.s32 s5, s6;
	s6 =	sadd.s32 s4, s6;
	s4 =	sadd.s32 s10, s9  }
.LBB2_2:
0x17: {  	s8 =	sadd.s32 $0x8, s8;
	[tilespmem:s7+$0xFFFFFFD0] =	vst v0;
	s7 =	sadd.s32 $0x80, s7  }
0x18: {  	[tilespmem:s7+$0xFFFFFFC0] =	vst v0;
	p0 =	slt.u32 s8, $0x3F8  }
0x19: {  	[tilespmem:s7+$0x30] =	vst v0  }
.Ltmp1:
0x1a: {  	[tilespmem:s7+$0x20] =	vst v0;
	(pc) =	sbr.rel @p0 .LBB2_2-.Ltmp1, $4  }
0x1b: {  	[tilespmem:s7+$0x10] =	vst v0  }
0x1c: {  	[tilespmem:s7+$0x0] =	vst v0  }
0x1d: {  	[tilespmem:s7+$0xFFFFFFF0] =	vst v0  }
0x1e: {  	[tilespmem:s7+$0xFFFFFFE0] =	vst v0  }
0x1f: {  	[tilespmem:s7+$0xFFFFFFD0] =	vst v0;
	s31 =	simm.s32 $0x1  }
0x20: {  	_ =	swait.ge [sflag:s31], $0x1800  }
0x21: {  	[sflag:s31] =	ssyncset.done $0x0  }
0x22: {  	[sflag:s31] =	ssyncadd.s32 $0xFFFFE800  }
0x23: {  	_ =	swait.ge [sflag:s31], $0x1800  }
0x24: {  	[sflag:s31] =	ssyncset.done $0x0  }
0x25: {  	s8 =	simm.s32 $0x1840;
	[sflag:s31] =	ssyncadd.s32 $0xFFFFE800  }
0x26: {  	v1 =	vld [tilespmem:s8+$0x30]  }
0x27: {  	v2 =	vld [tilespmem:s8+$0xFFFFFFD0]  }
0x28: {  	v3 =	vld [tilespmem:s8+$0xFFFFFFE0]  }
0x29: {  	v4 =	vld [tilespmem:s8+$0xFFFFFFF0]  }
0x2a: {  	v5 =	vld [tilespmem:s8+$0x0]  }
0x2b: {  	s7 =	simm.s32 $0x40;
	v6 =	vld [tilespmem:s8+$0x10]  }
0x2c: {  	v7 =	vld [tilespmem:s7+$0x30]  }
0x2d: {  	v0 =	vlaneseq.u32;
	v8 =	vld [tilespmem:s8+$0x20];
	v1 =	vshll.u32 v1, $0x4  }
0x2e: {  	v9 =	vld [tilespmem:s8+$0xFFFFFFC0];
	v1 =	vor.u32 v0, v1  }
0x2f: {  	v10 =	vld [tilespmem:s7+$0xFFFFFFC0]  }
0x30: {  	v11 =	vld [tilespmem:s7+$0xFFFFFFD0]  }
0x31: {  	v63 =	vld [tilespmem:s7+$0xFFFFFFF0];
	v4 =	vshll.u32 v4, $0x4  }
0x32: {  	s8 =	simm.s32 $0x3700;
	v12 =	vld [tilespmem:s7+$0x0];
	v2 =	vshll.u32 v2, $0x4;
	v4 =	vor.u32 v0, v4  }
0x33: {  	v5 =	vshll.u32 v5, $0x4;
	[tilespmem:v1+s8+$0x0] =	vst.idx.add.f32.msk $0xffff, v7;
	v1 =	vor.u32 v0, v2  }
0x34: {  	v13 =	vld [tilespmem:s7+$0x10];
	v6 =	vshll.u32 v6, $0x4;
	v5 =	vor.u32 v0, v5  }
0x35: {  	v14 =	vld [tilespmem:s7+$0x20];
	v62 =	vshll.u32 v9, $0x4;
	v6 =	vor.u32 v0, v6  }
0x36: {  	v2 =	vshll.u32 v3, $0x4;
	v3 =	vld [tilespmem:s7+$0xFFFFFFE0];
	v7 =	vor.u32 v0, v62  }
0x37: {  	v8 =	vshll.u32 v8, $0x4;
	[tilespmem:v4+s8+$0x0] =	vst.idx.add.f32.msk $0xffff, v63;
	v2 =	vor.u32 v0, v2  }
0x38: {  	[tilespmem:v1+s8+$0x0] =	vst.idx.add.f32.msk $0xffff, v11;
	v1 =	vor.u32 v0, v8  }
0x39: {  	[tilespmem:v5+s8+$0x0] =	vst.idx.add.f32.msk $0xffff, v12  }
0x3a: {  	[tilespmem:v6+s8+$0x0] =	vst.idx.add.f32.msk $0xffff, v13  }
0x3b: {  	[tilespmem:v7+s8+$0x0] =	vst.idx.add.f32.msk $0xffff, v10  }
0x3c: {  	[tilespmem:v2+s8+$0x0] =	vst.idx.add.f32.msk $0xffff, v3  }
0x3d: {  	s9 =	simm.s32 $0x0;
	s10 =	simm.s32 $0x18C0;
	[tilespmem:v1+s8+$0x0] =	vst.idx.add.f32.msk $0xffff, v14  }
.LBB2_4:
0x3e: {  	v1 =	vld [tilespmem:s10+$0x30];
	s9 =	sadd.s32 $0x8, s9  }
0x3f: {  	v2 =	vld [tilespmem:s10+$0xFFFFFFD0];
	p0 =	slt.u32 s9, $0x178  }
0x40: {  	v3 =	vld [tilespmem:s10+$0xFFFFFFE0]  }
0x41: {  	v4 =	vld [tilespmem:s10+$0xFFFFFFF0]  }
0x42: {  	v5 =	vld [tilespmem:s10+$0x0]  }
0x43: {  	s7 =	sadd.s32 $0x80, s7;
	v6 =	vld [tilespmem:s10+$0x10];
	v1 =	vshll.u32 v1, $0x4  }
0x44: {  	v2 =	vshll.u32 v2, $0x4;
	v7 =	vld [tilespmem:s7+$0x30];
	v1 =	vor.u32 v0, v1  }
0x45: {  	v2 =	vor.u32 v0, v2;
	v3 =	vshll.u32 v3, $0x4;
	v8 =	vld [tilespmem:s10+$0x20]  }
0x46: {  	v9 =	vld [tilespmem:s10+$0xFFFFFFC0];
	v3 =	vor.u32 v0, v3;
	v4 =	vshll.u32 v4, $0x4  }
0x47: {  	v10 =	vld [tilespmem:s7+$0xFFFFFFC0];
	v4 =	vor.u32 v0, v4;
	v5 =	vshll.u32 v5, $0x4  }
0x48: {  	v11 =	vld [tilespmem:s7+$0xFFFFFFD0];
	v5 =	vor.u32 v0, v5;
	v6 =	vshll.u32 v6, $0x4  }
0x49: {  	v6 =	vor.u32 v0, v6;
	[tilespmem:v1+s8+$0x0] =	vst.idx.add.f32.msk $0xffff, v7  }
0x4a: {  	v1 =	vld [tilespmem:s7+$0xFFFFFFE0];
	v7 =	vshll.u32 v8, $0x4  }
0x4b: {  	v8 =	vshll.u32 v9, $0x4;
	v9 =	vld [tilespmem:s7+$0xFFFFFFF0];
	v7 =	vor.u32 v0, v7  }
0x4c: {  	v8 =	vor.u32 v0, v8;
	v12 =	vld [tilespmem:s7+$0x0]  }
0x4d: {  	v13 =	vld [tilespmem:s7+$0x10]  }
0x4e: {  	v14 =	vld [tilespmem:s7+$0x20]  }
0x4f: {  	[tilespmem:v2+s8+$0x0] =	vst.idx.add.f32.msk $0xffff, v11  }
0x50: {  	[tilespmem:v3+s8+$0x0] =	vst.idx.add.f32.msk $0xffff, v1  }
.Ltmp2:
0x51: {  	[tilespmem:v8+s8+$0x0] =	vst.idx.add.f32.msk $0xffff, v10;
	(pc) =	sbr.rel @p0 .LBB2_4-.Ltmp2, $4  }
0x52: {  	[tilespmem:v4+s8+$0x0] =	vst.idx.add.f32.msk $0xffff, v9  }
0x53: {  	[tilespmem:v5+s8+$0x0] =	vst.idx.add.f32.msk $0xffff, v12  }
0x54: {  	[tilespmem:v6+s8+$0x0] =	vst.idx.add.f32.msk $0xffff, v13  }
0x55: {  	s10 =	sadd.s32 $0x80, s10;
	[tilespmem:v7+s8+$0x0] =	vst.idx.add.f32.msk $0xffff, v14  }
0x56: {  	p0 =	slt.u32 s1, $0xE  }
.Ltmp3:
0x57: {  	_ = 	snop;
	(pc) =	sbr.rel @p0 .LBB2_9-.Ltmp3, $1  }
0x58: {  	_ =	sdelay $0x3  }
0x59: {  	s7 =	simm.s32 $0x0;
	s8 =	simm.s32 $0x3000  }
0x5a: {  	[tilespmem:s8], [sflag:$0x1] =	stream.linear.gather [hbm4b:s5+s7], $0x350, $0x38;
	[tilespmem:$0x8700] =	vst v63  }
0x5b: {  	s28 =	simm.s32 $0x3380;
	s29 =	simm.s32 $0x1  }
0x5c: {  	[tilespmem:s28], [sflag:$0x1] =	stream.linear.gather [hbm4b:s6+s7], $0x350, $0x38;
	[tilespmem:$0x8700] =	vst v63  }
0x5d: {  	_ =	swait.ge [sflag:s29], $0x350  }
0x5e: {  	[sflag:s29] =	ssyncset.done $0x0  }
0x5f: {  	[sflag:s29] =	ssyncadd.s32 $0xFFFFFCB0  }
0x60: {  	_ =	swait.ge [sflag:s29], $0x350  }
0x61: {  	[sflag:s29] =	ssyncset.done $0x0  }
0x62: {  	s30 =	simm.s32 $0x0;
	[sflag:s29] =	ssyncadd.s32 $0xFFFFFCB0  }
0x63: {  	v2 =	vld [tilespmem:s30+$0x3380];
	_ =	sdelay $0x4  }
0x64: {  	s31 =	simm.s32 $0x10;
	v0 =	vlaneseq.u32;
	v1 =	vld [tilespmem:s30+$0x3000];
	v3 =	vshll.u32 v2, $0x4  }
0x65: {  	v2 =	vld [tilespmem:s31+$0x3380];
	v4 =	vor.u32 v0, v3;
	_ =	sdelay $0x3  }
0x66: {  	s5 =	simm.s32 $0x3700;
	s6 =	simm.s32 $0x80;
	v3 =	vld [tilespmem:s31+$0x3000]  }
.LBB2_7:
0x67: {  	s7 =	sshra.s32 s6, $0x2;
	p0 =	sne.s32 s6, $0xD00;
	s6 =	sadd.s32 $0x40, s6;
	v5 =	vshll.u32 v2, $0x4;
	[tilespmem:v4+s5+$0x0] =	vst.idx.add.f32.msk $0xffff, v1  }
.Ltmp4:
0x68: {  	v2 =	vld [tilespmem:s7+$0x3380];
	v4 =	vor.u32 v0, v5;
	(pc) =	sbr.rel @p0 .LBB2_7-.Ltmp4, $3  }
0x69: {  	_ =	sdelay $0x1  }
0x6a: {  	v1 =	vmov v3  }
0x6b: {  	v3 =	vld [tilespmem:s7+$0x3000]  }
0x6c: {  	v2 =	vshll.u32 v2, $0x4  }
0x6d: {  	v0 =	vor.u32 v0, v2;
	_ =	sdelay $0x3  }
0x6e: {  	[tilespmem:v4+s5+$0x0] =	vst.idx.add.f32.msk $0xffff, v1  }
0x6f: {  	[tilespmem:v0+s5+$0x0] =	vst.idx.add.f32.msk $0xffff, v3  }
.LBB2_9:
0x70: {  	v1 =	vlaneseq.u32  }
0x71: {  	v0 =	vmul.u32 $0x10, v1  }
0x72: {  	v1 =	vand.u32 $0x7, v1  }
0x73: {  	s8 =	simm.s32 $0x0;
	v2 =	vmul.u32 $0x10, v1;
	v45 =	vor.u32 $0x1, v0  }
0x74: {  	s6 =	simm.s32 $0x300;
	v3 =	vor.u32 s8, v45  }
0x75: {  	s7 =	simm.s32 $0x100;
	v4 =	vor.u32 s6, v0;
	v7 =	vor.u32 $0xFFFFFF80, v2;
	v5 =	vor.u32 s6, v45  }
0x76: {  	v6 =	vor.u32 s7, v0;
	v8 =	vor.u32 $0xFFFFFD80, v2;
	[tilespmem:$0x1FEC0] =	vst v7;
	v7 =	vand.u32 v7, v4  }
0x77: {  	s9 =	simm.s32 $0x200;
	v46 =	vor.u32 $0x2, v0;
	v47 =	vor.u32 $0xFFFFFE80, v2;
	[tilespmem:$0x1FED0] =	vst v8;
	v9 =	vand.u32 v8, v6  }
0x78: {  	s5 =	simm.s32 $0x3700;
	v48 =	vor.u32 s9, v0;
	v10 =	vor.u32 s6, v46;
	[tilespmem:$0x1FEE0] =	vst v47  }
0x79: {  	v36 =	vor.u32 $0x3, v0;
	v49 =	vor.u32 $0xFFFFFC80, v2;
	v11 =	vand.u32 v47, v48;
	v3 =	vld.idx.msk [tilespmem:v3+s5+$0x0], $0xffff  }
0x7a: {  	v50 =	vor.u32 s8, v0;
	v12 =	vor.u32 s6, v36;
	v5 =	vld.idx.msk [tilespmem:v5+s5+$0x0], $0xffff;
	[tilespmem:$0x1FEF0] =	vst v49  }
0x7b: {  	v51 =	vor.u32 $0x4, v0;
	v2 =	vand.u32 v49, v50;
	v7 =	vld.idx.msk [tilespmem:v7+s5+$0x0], $0xffff  }
0x7c: {  	v13 =	vor.u32 s6, v51;
	v20 =	vld.idx.msk [tilespmem:v9+s5+$0x0], $0xffff  }
0x7d: {  	v52 =	vor.u32 $0x5, v0;
	v14 =	vor.u32 s7, v45;
	v21 =	vld.idx.msk [tilespmem:v10+s5+$0x0], $0xffff  }
0x7e: {  	v15 =	vor.u32 s6, v52;
	v22 =	vld.idx.msk [tilespmem:v11+s5+$0x0], $0xffff;
	[tilespmem:$0x1FF00] =	vst v45  }
0x7f: {  	v53 =	vor.u32 $0x6, v0;
	v16 =	vor.u32 s9, v45;
	v23 =	vld.idx.msk [tilespmem:v12+s5+$0x0], $0xffff  }
0x80: {  	v17 =	vor.u32 s6, v53;
	v2 =	vld.idx.msk [tilespmem:v2+s5+$0x0], $0xffff  }
0x81: {  	v54 =	vor.u32 $0x7, v0;
	v18 =	vor.u32 s7, v46;
	v24 =	vld.idx.msk [tilespmem:v13+s5+$0x0], $0xffff  }
0x82: {  	v19 =	vor.u32 s6, v54;
	v25 =	vld.idx.msk [tilespmem:v14+s5+$0x0], $0xffff  }
0x83: {  	v55 =	vor.u32 $0x8, v0;
	v26 =	vor.u32 s9, v46;
	v27 =	vld.idx.msk [tilespmem:v15+s5+$0x0], $0xffff  }
0x84: {  	v56 =	vor.u32 s6, v55;
	v28 =	vld.idx.msk [tilespmem:v16+s5+$0x0], $0xffff;
	[tilespmem:$0x1FF10] =	vst v46  }
0x85: {  	v57 =	vor.u32 $0x9, v0;
	v29 =	vor.u32 s8, v46;
	v30 =	vld.idx.msk [tilespmem:v17+s5+$0x0], $0xffff  }
0x86: {  	v58 =	vor.u32 s6, v57;
	v31 =	vld.idx.msk [tilespmem:v18+s5+$0x0], $0xffff  }
0x87: {  	v59 =	vor.u32 s7, v36;
	v4 =	vor.u32 $0xA, v0;
	v32 =	vld.idx.msk [tilespmem:v19+s5+$0x0], $0xffff  }
0x88: {  	v60 =	vor.u32 s6, v4;
	v26 =	vld.idx.msk [tilespmem:v26+s5+$0x0], $0xffff  }
0x89: {  	v61 =	vor.u32 $0xB, v0;
	v33 =	vor.u32 s9, v36;
	v34 =	vld.idx.msk [tilespmem:v56+s5+$0x0], $0xffff  }
0x8a: {  	v35 =	vor.u32 s6, v61;
	v29 =	vld.idx.msk [tilespmem:v29+s5+$0x0], $0xffff;
	[tilespmem:$0x1FF20] =	vst v36  }
0x8b: {  	v36 =	vor.u32 s8, v36;
	v37 =	vld.idx.msk [tilespmem:v58+s5+$0x0], $0xffff  }
0x8c: {  	v62 =	vor.u32 $0xC, v0;
	v38 =	vld.idx.msk [tilespmem:v59+s5+$0x0], $0xffff  }
0x8d: {  	v39 =	vor.u32 s6, v62;
	v41 =	vld.idx.msk [tilespmem:v60+s5+$0x0], $0xffff  }
0x8e: {  	v40 =	vor.u32 s7, v51;
	v14 =	vor.u32 $0xD, v0;
	v33 =	vld.idx.msk [tilespmem:v33+s5+$0x0], $0xffff  }
0x8f: {  	v42 =	vor.u32 s6, v14;
	v35 =	vld.idx.msk [tilespmem:v35+s5+$0x0], $0xffff  }
0x90: {  	v43 =	vor.u32 s9, v51;
	v15 =	vor.u32 $0xE, v0;
	v36 =	vld.idx.msk [tilespmem:v36+s5+$0x0], $0xffff;
	[tilespmem:$0x1FF30] =	vst v0  }
0x91: {  	v44 =	vor.u32 s6, v15;
	[tilespmem:$0x1FF40] =	vst v51  }
0x92: {  	v45 =	vor.u32 s8, v51;
	v16 =	vor.u32 $0xF, v0;
	v39 =	vld.idx.msk [tilespmem:v39+s5+$0x0], $0xffff  }
0x93: {  	v46 =	vor.u32 s6, v16;
	v40 =	vld.idx.msk [tilespmem:v40+s5+$0x0], $0xffff  }
0x94: {  	v47 =	vor.u32 s7, v52;
	v42 =	vld.idx.msk [tilespmem:v42+s5+$0x0], $0xffff  }
0x95: {  	v48 =	vor.u32 s9, v52;
	v5 =	vadd.f32 v5, v7;
	v63 =	vld.idx.msk [tilespmem:v43+s5+$0x0], $0xffff;
	[tilespmem:$0x1FF50] =	vst v52  }
0x96: {  	v0 =	vor.u32 s8, v52;
	v44 =	vld.idx.msk [tilespmem:v44+s5+$0x0], $0xffff  }
0x97: {  	v49 =	vor.u32 s7, v53;
	v5 =	vadd.f32 v21, v5;
	v21 =	vld.idx.msk [tilespmem:v45+s5+$0x0], $0xffff  }
0x98: {  	v8 =	vor.u32 s9, v53;
	v46 =	vld.idx.msk [tilespmem:v46+s5+$0x0], $0xffff;
	[tilespmem:$0x1FF60] =	vst v53  }
0x99: {  	v50 =	vor.u32 s8, v53;
	v5 =	vadd.f32 v23, v5;
	v23 =	vld.idx.msk [tilespmem:v47+s5+$0x0], $0xffff  }
0x9a: {  	v51 =	vor.u32 s9, v54;
	v48 =	vld.idx.msk [tilespmem:v48+s5+$0x0], $0xffff  }
0x9b: {  	v53 =	vor.u32 s8, v54;
	v5 =	vadd.f32 v24, v5;
	v24 =	vld.idx.msk [tilespmem:v0+s5+$0x0], $0xffff;
	[tilespmem:$0x1FF70] =	vst v54  }
0x9c: {  	v17 =	vor.u32 s7, v54;
	v49 =	vld.idx.msk [tilespmem:v49+s5+$0x0], $0xffff  }
0x9d: {  	v20 =	vadd.f32 v25, v20;
	v25 =	vor.u32 s9, v55;
	v5 =	vadd.f32 v27, v5;
	v45 =	vld.idx.msk [tilespmem:v8+s5+$0x0], $0xffff  }
0x9e: {  	v22 =	vadd.f32 v28, v22;
	v2 =	vadd.f32 v3, v2;
	v27 =	vor.u32 s7, v55;
	v28 =	vld.idx.msk [tilespmem:v50+s5+$0x0], $0xffff;
	[tilespmem:$0x1FF80] =	vst v55  }
0x9f: {  	v20 =	vadd.f32 v31, v20;
	v55 =	vor.u32 s8, v55;
	v31 =	vld.idx.msk [tilespmem:v51+s5+$0x0], $0xffff;
	v54 =	vadd.f32 v30, v5  }
0xa0: {  	v22 =	vadd.f32 v26, v22;
	v26 =	vor.u32 s7, v57;
	v56 =	vld.idx.msk [tilespmem:v53+s5+$0x0], $0xffff  }
0xa1: {  	v2 =	vadd.f32 v29, v2;
	v29 =	vor.u32 s9, v57;
	v30 =	vld.idx.msk [tilespmem:v17+s5+$0x0], $0xffff;
	[tilespmem:$0x1FF90] =	vst v57;
	v3 =	vadd.f32 v32, v54  }
0xa2: {  	v20 =	vadd.f32 v38, v20;
	v22 =	vadd.f32 v33, v22;
	v57 =	vor.u32 s8, v57;
	v25 =	vld.idx.msk [tilespmem:v25+s5+$0x0], $0xffff  }
0xa3: {  	v58 =	vor.u32 s7, v4;
	v2 =	vadd.f32 v36, v2;
	v27 =	vld.idx.msk [tilespmem:v27+s5+$0x0], $0xffff;
	v3 =	vadd.f32 v34, v3  }
0xa4: {  	v20 =	vadd.f32 v40, v20;
	v7 =	vadd.f32 v63, v22;
	v22 =	vor.u32 s9, v4;
	v5 =	vld.idx.msk [tilespmem:v55+s5+$0x0], $0xffff;
	[tilespmem:$0x1FFA0] =	vst v4  }
0xa5: {  	v2 =	vadd.f32 v21, v2;
	v21 =	vor.u32 s8, v4;
	v26 =	vld.idx.msk [tilespmem:v26+s5+$0x0], $0xffff;
	v3 =	vadd.f32 v37, v3  }
0xa6: {  	v20 =	vadd.f32 v23, v20;
	v7 =	vadd.f32 v48, v7;
	v23 =	vor.u32 s7, v61;
	v29 =	vld.idx.msk [tilespmem:v29+s5+$0x0], $0xffff  }
0xa7: {  	v2 =	vadd.f32 v24, v2;
	v24 =	vor.u32 s9, v61;
	v33 =	vld.idx.msk [tilespmem:v57+s5+$0x0], $0xffff;
	[tilespmem:$0x1FFB0] =	vst v61;
	v3 =	vadd.f32 v41, v3  }
0xa8: {  	v59 =	vor.u32 s8, v61;
	v20 =	vadd.f32 v49, v20;
	v7 =	vadd.f32 v45, v7;
	v34 =	vld.idx.msk [tilespmem:v58+s5+$0x0], $0xffff  }
0xa9: {  	v2 =	vadd.f32 v28, v2;
	v28 =	vor.u32 s7, v62;
	v22 =	vld.idx.msk [tilespmem:v22+s5+$0x0], $0xffff;
	v3 =	vadd.f32 v35, v3  }
0xaa: {  	v20 =	vadd.f32 v30, v20;
	v7 =	vadd.f32 v31, v7;
	v30 =	vor.u32 s9, v62;
	v21 =	vld.idx.msk [tilespmem:v21+s5+$0x0], $0xffff;
	[tilespmem:$0x1FFC0] =	vst v62  }
0xab: {  	v31 =	vor.u32 s8, v62;
	v23 =	vld.idx.msk [tilespmem:v23+s5+$0x0], $0xffff;
	v3 =	vadd.f32 v39, v3  }
0xac: {  	v2 =	vadd.f32 v56, v2;
	v7 =	vadd.f32 v25, v7;
	v25 =	vor.u32 s7, v14;
	v60 =	vld.idx.msk [tilespmem:v24+s5+$0x0], $0xffff  }
0xad: {  	v61 =	vor.u32 s9, v14;
	v62 =	vld.idx.msk [tilespmem:v59+s5+$0x0], $0xffff;
	[tilespmem:$0x1FFD0] =	vst v14;
	v20 =	vadd.f32 v27, v20;
	v3 =	vadd.f32 v42, v3  }
0xae: {  	v2 =	vadd.f32 v5, v2;
	v7 =	vadd.f32 v29, v7;
	v29 =	vld.idx.msk [tilespmem:v28+s5+$0x0], $0xffff  }
0xaf: {  	v20 =	vadd.f32 v26, v20;
	v26 =	vor.u32 s8, v14;
	v28 =	vld.idx.msk [tilespmem:v30+s5+$0x0], $0xffff;
	v3 =	vadd.f32 v44, v3  }
0xb0: {  	v63 =	vor.u32 s7, v15;
	v2 =	vadd.f32 v33, v2;
	v27 =	vld.idx.msk [tilespmem:v31+s5+$0x0], $0xffff  }
0xb1: {  	v20 =	vadd.f32 v34, v20;
	v24 =	vld.idx.msk [tilespmem:v25+s5+$0x0], $0xffff;
	v3 =	vadd.f32 v46, v3  }
0xb2: {  	s6 =	simm.s32 $0x7720;
	v33 =	vor.u32 s9, v15;
	v2 =	vadd.f32 v21, v2;
	v25 =	vld.idx.msk [tilespmem:v61+s5+$0x0], $0xffff;
	[tilespmem:$0x1FFE0] =	vst v15  }
0xb3: {  	v7 =	vadd.f32 v22, v7;
	v22 =	vor.u32 s8, v15;
	v30 =	vadd.f32 v23, v20;
	[tilespmem:s6+$0x10] =	vst v3  }
0xb4: {  	v21 =	vor.u32 s8, v16;
	v45 =	vadd.f32 v62, v2;
	v23 =	vor.u32 s7, v16;
	v26 =	vld.idx.msk [tilespmem:v26+s5+$0x0], $0xffff;
	[tilespmem:$0x1FFF0] =	vst v16  }
0xb5: {  	s8 =	simm.s32 $0x400;
	s7 =	simm.s32 $0x0;
	v44 =	vadd.f32 v60, v7;
	v38 =	vadd.f32 v29, v30;
	v29 =	vor.u32 s9, v16;
	v30 =	vld.idx.msk [tilespmem:v63+s5+$0x0], $0xffff  }
.LBB2_10:
0xb6: {  	v1 =	vld [tilespmem:$0x1FF30]  }
0xb7: {  	v4 =	vld [tilespmem:$0x1FF00]  }
0xb8: {  	v8 =	vld [tilespmem:$0x1FF10]  }
0xb9: {  	v52 =	vld.idx.msk [tilespmem:v33+s5+$0x0], $0xffff  }
0xba: {  	v55 =	vld.idx.msk [tilespmem:v22+s5+$0x0], $0xffff  }
0xbb: {  	v6 =	vld [tilespmem:$0x1FED0]  }
0xbc: {  	v13 =	vld [tilespmem:$0x1FEC0]  }
0xbd: {  	v56 =	vld.idx.msk [tilespmem:v23+s5+$0x0], $0xffff  }
0xbe: {  	v14 =	vld [tilespmem:$0x1FEF0]  }
0xbf: {  	v15 =	vld [tilespmem:$0x1FEE0]  }
0xc0: {  	v59 =	vld.idx.msk [tilespmem:v29+s5+$0x0], $0xffff  }
0xc1: {  	v60 =	vld.idx.msk [tilespmem:v21+s5+$0x0], $0xffff  }
0xc2: {  	v16 =	vld [tilespmem:$0x1FF20]  }
0xc3: {  	v19 =	vld [tilespmem:$0x1FF90]  }
0xc4: {  	s11 =	sadd.s32 $0x100, s8;
	s9 =	sadd.s32 $0x300, s8;
	v17 =	vld [tilespmem:$0x1FF40];
	v2 =	vor.u32 s8, v1;
	v3 =	vor.u32 s8, v4  }
0xc5: {  	s10 =	sadd.s32 $0x200, s8;
	v12 =	vld [tilespmem:$0x1FF50];
	v5 =	vor.u32 s11, v1;
	v7 =	vor.u32 s9, v1;
	v20 =	vor.u32 s9, v4  }
0xc6: {  	v22 =	vor.u32 s10, v1;
	v32 =	vor.u32 s11, v4;
	v33 =	vor.u32 s10, v4;
	v1 =	vld [tilespmem:$0x1FFB0]  }
0xc7: {  	v34 =	vor.u32 s9, v8;
	v4 =	vor.u32 s11, v16;
	v31 =	vand.u32 v13, v7;
	v13 =	vld [tilespmem:$0x1FF60]  }
0xc8: {  	v35 =	vor.u32 s9, v16;
	v0 =	vor.u32 s8, v19;
	v23 =	vand.u32 v14, v2;
	v14 =	vld [tilespmem:$0x1FF70]  }
0xc9: {  	v5 =	vand.u32 v6, v5;
	v6 =	vor.u32 s10, v16;
	v7 =	vor.u32 s8, v16;
	v16 =	vld [tilespmem:$0x1FF80]  }
0xca: {  	[tilespmem:$0x1FE70] =	vst v0;
	v0 =	vld [tilespmem:$0x1FFA0]  }
0xcb: {  	v2 =	vld [tilespmem:$0x1FFC0]  }
0xcc: {  	v9 =	vor.u32 s8, v8;
	v21 =	vld.idx.msk [tilespmem:v3+s5+$0x0], $0xffff  }
0xcd: {  	v29 =	vor.u32 s11, v8;
	v42 =	vor.u32 s10, v8;
	v8 =	vor.u32 s11, v17;
	v20 =	vld.idx.msk [tilespmem:v20+s5+$0x0], $0xffff  }
0xce: {  	v34 =	vld.idx.msk [tilespmem:v34+s5+$0x0], $0xffff  }
0xcf: {  	v22 =	vand.u32 v15, v22;
	v35 =	vld.idx.msk [tilespmem:v35+s5+$0x0], $0xffff  }
0xd0: {  	v15 =	vld.idx.msk [tilespmem:v33+s5+$0x0], $0xffff  }
0xd1: {  	v3 =	vld [tilespmem:$0x1FFD0]  }
0xd2: {  	v36 =	vor.u32 s9, v17;
	v8 =	vld.idx.msk [tilespmem:v8+s5+$0x0], $0xffff  }
0xd3: {  	v31 =	vld.idx.msk [tilespmem:v31+s5+$0x0], $0xffff  }
0xd4: {  	v11 =	vld.idx.msk [tilespmem:v22+s5+$0x0], $0xffff;
	v22 =	vor.u32 s9, v12  }
0xd5: {  	v43 =	vor.u32 s11, v12;
	v62 =	vor.u32 s8, v12;
	v10 =	vld.idx.msk [tilespmem:v5+s5+$0x0], $0xffff;
	v40 =	vor.u32 s9, v13  }
0xd6: {  	v5 =	vor.u32 s10, v12;
	v58 =	vor.u32 s8, v13;
	v61 =	vor.u32 s11, v14;
	v23 =	vld.idx.msk [tilespmem:v23+s5+$0x0], $0xffff  }
0xd7: {  	v57 =	vor.u32 s10, v14;
	v54 =	vor.u32 s8, v14;
	v12 =	vld.idx.msk [tilespmem:v36+s5+$0x0], $0xffff;
	v14 =	vor.u32 s9, v14  }
0xd8: {  	v41 =	vor.u32 s11, v13;
	v63 =	vor.u32 s10, v13;
	v53 =	vor.u32 s11, v16;
	v13 =	vld.idx.msk [tilespmem:v32+s5+$0x0], $0xffff  }
0xd9: {  	v49 =	vor.u32 s10, v16;
	v51 =	vor.u32 s8, v16;
	v16 =	vor.u32 s9, v16;
	v22 =	vld.idx.msk [tilespmem:v22+s5+$0x0], $0xffff  }
0xda: {  	v39 =	vor.u32 s8, v17;
	v37 =	vor.u32 s10, v17;
	v18 =	vor.u32 s8, v1;
	v17 =	vld.idx.msk [tilespmem:v40+s5+$0x0], $0xffff  }
0xdb: {  	[tilespmem:$0x1FE80] =	vst v18;
	v20 =	vadd.f32 v20, v31;
	v18 =	vadd.f32 v21, v23;
	v21 =	vld.idx.msk [tilespmem:v29+s5+$0x0], $0xffff  }
0xdc: {  	v47 =	vor.u32 s11, v19;
	v14 =	vld.idx.msk [tilespmem:v14+s5+$0x0], $0xffff  }
0xdd: {  	v50 =	vor.u32 s10, v19;
	v10 =	vadd.f32 v13, v10;
	v13 =	vld.idx.msk [tilespmem:v42+s5+$0x0], $0xffff;
	v20 =	vadd.f32 v34, v20  }
0xde: {  	v48 =	vor.u32 s11, v0;
	v32 =	vor.u32 s10, v0;
	v31 =	vor.u32 s8, v0;
	v16 =	vld.idx.msk [tilespmem:v16+s5+$0x0], $0xffff  }
0xdf: {  	v29 =	vor.u32 s9, v19;
	v19 =	vor.u32 s9, v0;
	v0 =	vld.idx.msk [tilespmem:v9+s5+$0x0], $0xffff;
	v20 =	vadd.f32 v35, v20  }
0xe0: {  	v11 =	vadd.f32 v15, v11;
	v15 =	vor.u32 s9, v1;
	v9 =	vld [tilespmem:$0x1FFF0]  }
0xe1: {  	v12 =	vadd.f32 v12, v20;
	v20 =	vld [tilespmem:$0x1FFE0]  }
0xe2: {  	v46 =	vor.u32 s10, v1;
	v36 =	vor.u32 s11, v1;
	v1 =	vld.idx.msk [tilespmem:v4+s5+$0x0], $0xffff  }
0xe3: {  	v28 =	vadd.f32 v28, v44;
	v44 =	vor.u32 s9, v2;
	v4 =	vld.idx.msk [tilespmem:v6+s5+$0x0], $0xffff;
	v12 =	vadd.f32 v22, v12  }
0xe4: {  	v6 =	vld.idx.msk [tilespmem:v7+s5+$0x0], $0xffff;
	v11 =	vadd.f32 v13, v11;
	v13 =	vor.u32 s9, v3  }
0xe5: {  	v15 =	vld.idx.msk [tilespmem:v15+s5+$0x0], $0xffff;
	v12 =	vadd.f32 v17, v12  }
0xe6: {  	v27 =	vadd.f32 v27, v45;
	v0 =	vadd.f32 v0, v18;
	v17 =	vld.idx.msk [tilespmem:v29+s5+$0x0], $0xffff;
	v18 =	vor.u32 s9, v20  }
0xe7: {  	v12 =	vadd.f32 v14, v12;
	v14 =	vld.idx.msk [tilespmem:v19+s5+$0x0], $0xffff;
	v19 =	vadd.f32 v24, v38  }
0xe8: {  	v45 =	vadd.f32 v25, v28;
	v24 =	vadd.f32 v26, v27;
	v38 =	vld.idx.msk [tilespmem:v44+s5+$0x0], $0xffff;
	v44 =	vor.u32 s9, v9  }
0xe9: {  	v13 =	vld.idx.msk [tilespmem:v13+s5+$0x0], $0xffff;
	v12 =	vadd.f32 v16, v12;
	v19 =	vadd.f32 v30, v19  }
0xea: {  	v16 =	vadd.f32 v52, v45;
	v45 =	vadd.f32 v55, v24;
	v52 =	vld.idx.msk [tilespmem:v37+s5+$0x0], $0xffff  }
0xeb: {  	v10 =	vadd.f32 v21, v10;
	v55 =	vadd.f32 v56, v19;
	v56 =	vld.idx.msk [tilespmem:v18+s5+$0x0], $0xffff  }
0xec: {  	v16 =	vadd.f32 v59, v16;
	v59 =	vld.idx.msk [tilespmem:v39+s5+$0x0], $0xffff;
	v60 =	vadd.f32 v60, v45  }
0xed: {  	v1 =	vadd.f32 v1, v10;
	v10 =	vld.idx.msk [tilespmem:v44+s5+$0x0], $0xffff;
	[tilespmem:s6+$0xFFFFFFF0] =	vst v55  }
0xee: {  	[tilespmem:s6+$0xFFFFFFE0] =	vst v60;
	v60 =	vld [tilespmem:$0x1FE80]  }
0xef: {  	v12 =	vadd.f32 v17, v12;
	[tilespmem:s6+$0x0] =	vst v16;
	v17 =	vld.idx.msk [tilespmem:v43+s5+$0x0], $0xffff  }
0xf0: {  	v5 =	vld.idx.msk [tilespmem:v5+s5+$0x0], $0xffff  }
0xf1: {  	v19 =	vld.idx.msk [tilespmem:v62+s5+$0x0], $0xffff  }
0xf2: {  	v37 =	vld.idx.msk [tilespmem:v41+s5+$0x0], $0xffff  }
0xf3: {  	v39 =	vld.idx.msk [tilespmem:v58+s5+$0x0], $0xffff  }
0xf4: {  	v41 =	vld.idx.msk [tilespmem:v61+s5+$0x0], $0xffff  }
0xf5: {  	v43 =	vld.idx.msk [tilespmem:v57+s5+$0x0], $0xffff  }
0xf6: {  	v44 =	vld.idx.msk [tilespmem:v54+s5+$0x0], $0xffff  }
0xf7: {  	v45 =	vld.idx.msk [tilespmem:v53+s5+$0x0], $0xffff  }
0xf8: {  	v4 =	vadd.f32 v4, v11;
	v12 =	vadd.f32 v14, v12;
	v49 =	vld.idx.msk [tilespmem:v49+s5+$0x0], $0xffff  }
0xf9: {  	v51 =	vld.idx.msk [tilespmem:v51+s5+$0x0], $0xffff  }
0xfa: {  	v4 =	vadd.f32 v52, v4;
	v52 =	vld.idx.msk [tilespmem:v47+s5+$0x0], $0xffff;
	v12 =	vadd.f32 v15, v12  }
0xfb: {  	v53 =	vld.idx.msk [tilespmem:v50+s5+$0x0], $0xffff  }
0xfc: {  	v54 =	vld [tilespmem:$0x1FE70];
	v14 =	vadd.f32 v38, v12  }
0xfd: {  	v33 =	vor.u32 s11, v2;
	v34 =	vor.u32 s10, v2;
	v0 =	vadd.f32 v6, v0;
	v55 =	vld.idx.msk [tilespmem:v48+s5+$0x0], $0xffff  }
0xfe: {  	[tilespmem:$0x1FEA0] =	vst v34;
	v34 =	vor.u32 s8, v2;
	v1 =	vadd.f32 v8, v1;
	v38 =	vld.idx.msk [tilespmem:v63+s5+$0x0], $0xffff;
	v18 =	vadd.f32 v13, v14  }
0xff: {  	[tilespmem:$0x1FE90] =	vst v33;
	v57 =	vld.idx.msk [tilespmem:v31+s5+$0x0], $0xffff;
	v0 =	vadd.f32 v59, v0  }
0x100: {  	v61 =	vld [tilespmem:$0x1FE90];
	v1 =	vadd.f32 v17, v1;
	v7 =	vadd.f32 v56, v18  }
0x101: {  	v58 =	vld.idx.msk [tilespmem:v36+s5+$0x0], $0xffff;
	v4 =	vadd.f32 v5, v4;
	v0 =	vadd.f32 v19, v0  }
0x102: {  	v35 =	vor.u32 s10, v3;
	v62 =	vld [tilespmem:$0x1FEA0];
	v1 =	vadd.f32 v37, v1;
	v7 =	vadd.f32 v10, v7  }
0x103: {  	[tilespmem:$0x1FEB0] =	vst v35;
	s6 =	sadd.s32 $0x40, s6;
	v27 =	vld.idx.msk [tilespmem:v34+s5+$0x0], $0xffff;
	v0 =	vadd.f32 v39, v0;
	v4 =	vadd.f32 v38, v4  }
0x104: {  	v1 =	vadd.f32 v41, v1;
	[tilespmem:s6+$0x10] =	vst v7;
	v7 =	vld.idx.msk [tilespmem:v54+s5+$0x0], $0xffff  }
0x105: {  	v40 =	vor.u32 s11, v3;
	v63 =	vld [tilespmem:$0x1FEB0];
	v0 =	vadd.f32 v44, v0;
	v4 =	vadd.f32 v43, v4  }
0x106: {  	v35 =	vor.u32 s8, v3;
	v56 =	vld.idx.msk [tilespmem:v32+s5+$0x0], $0xffff;
	v1 =	vadd.f32 v45, v1  }
0x107: {  	v42 =	vor.u32 s11, v20;
	v59 =	vld.idx.msk [tilespmem:v46+s5+$0x0], $0xffff;
	v0 =	vadd.f32 v51, v0;
	v4 =	vadd.f32 v49, v4  }
0x108: {  	s7 =	sadd.s32 $0x4, s7;
	v3 =	vld.idx.msk [tilespmem:v61+s5+$0x0], $0xffff;
	v1 =	vadd.f32 v52, v1  }
0x109: {  	p0 =	slt.u32 s7, $0x3C;
	v4 =	vadd.f32 v53, v4;
	v0 =	vadd.f32 v7, v0;
	v7 =	vld.idx.msk [tilespmem:v60+s5+$0x0], $0xffff  }
.Ltmp5:
0x10a: {  	v24 =	vld.idx.msk [tilespmem:v40+s5+$0x0], $0xffff;
	v1 =	vadd.f32 v55, v1;
	(pc) =	sbr.rel @p0 .LBB2_10-.Ltmp5, $4  }
0x10b: {  	v23 =	vor.u32 s11, v9;
	v26 =	vld.idx.msk [tilespmem:v35+s5+$0x0], $0xffff;
	v4 =	vadd.f32 v56, v4  }
0x10c: {  	v21 =	vor.u32 s8, v9;
	v30 =	vld.idx.msk [tilespmem:v42+s5+$0x0], $0xffff;
	v1 =	vadd.f32 v58, v1;
	v0 =	vadd.f32 v57, v0  }
0x10d: {  	v29 =	vor.u32 s10, v9;
	v33 =	vor.u32 s10, v20;
	v28 =	vld.idx.msk [tilespmem:v62+s5+$0x0], $0xffff;
	v44 =	vadd.f32 v59, v4  }
0x10e: {  	v22 =	vor.u32 s8, v20;
	s8 =	sadd.s32 $0x400, s8;
	v25 =	vld.idx.msk [tilespmem:v63+s5+$0x0], $0xffff;
	v38 =	vadd.f32 v3, v1;
	v45 =	vadd.f32 v7, v0  }
0x10f: {  	_ =	sdelay $0x3  }
0x110: {  	v0 =	vld.idx.msk [tilespmem:v33+s5+$0x0], $0xffff  }
0x111: {  	v1 =	vld.idx.msk [tilespmem:v22+s5+$0x0], $0xffff  }
0x112: {  	v2 =	vld.idx.msk [tilespmem:v23+s5+$0x0], $0xffff;
	v5 =	vadd.f32 v27, v45  }
0x113: {  	v7 =	vld.idx.msk [tilespmem:v21+s5+$0x0], $0xffff;
	v6 =	vadd.f32 v24, v38;
	v3 =	vadd.f32 v28, v44  }
0x114: {  	v4 =	vld.idx.msk [tilespmem:v29+s5+$0x0], $0xffff;
	v5 =	vadd.f32 v26, v5  }
0x115: {  	v6 =	vadd.f32 v30, v6;
	v3 =	vadd.f32 v25, v3  }
0x116: {  	v1 =	vadd.f32 v1, v5  }
0x117: {  	v2 =	vadd.f32 v2, v6;
	v0 =	vadd.f32 v0, v3  }
0x118: {  	v1 =	vadd.f32 v7, v1  }
0x119: {  	[tilespmem:s6+$0xFFFFFFF0] =	vst v2;
	v0 =	vadd.f32 v4, v0  }
0x11a: {  	[tilespmem:s6+$0xFFFFFFE0] =	vst v1  }
0x11b: {  	s7 =	simm.s32 $0x80;
	s5 =	simm.s32 $0x7700;
	[tilespmem:s6+$0x0] =	vst v0;
	s6 =	simm.s32 $0x400  }
0x11c: {  	[spmem:s4] =	stream.strided.scatter [tilespmem:s5], [sflag:$0x2], $0x400, s6, s7, $0x38;
	[tilespmem:$0x8700] =	vst v63  }
0x11d: {  	p0 =	sgt.u32 s1, $0x7;
	s4 =	simm.s32 $0x2  }
.Ltmp6:
0x11e: {  	_ =	swait.ge [sflag:s4], $0x400;
	(pc) =	sbr.rel @p0 .LBB2_13-.Ltmp6, $3  }
0x11f: {  	[sflag:s4] =	ssyncset.done $0x0  }
0x120: {  	[sflag:s4] =	ssyncadd.s32 $0xFFFFFC00  }
0x121: {  	[bflag:$0x0] =	sbarrier.arrive $0xFFFF;
	_ =	sdelay $0x1  }
0x122: {  	s7 =	simm.s32 $0x2000;
	s8 =	simm.s32 $0x7B00  }
0x123: {  	[tilespmem:s8], [sflag:$0x2] =	stream.strided.gather [spmem:s3], $0x800, s7, s6, $0x38;
	[tilespmem:$0x8700] =	vst v63  }
0x124: {  	_ =	swait.ge [sflag:s4], $0x800  }
0x125: {  	[sflag:s4] =	ssyncset.done $0x0  }
0x126: {  	[sflag:s4] =	ssyncadd.s32 $0xFFFFF800  }
0x127: {  	v0 =	vld [tilespmem:$0x7B00]  }
0x128: {  	v1 =	vld [tilespmem:$0x7B80]  }
0x129: {  	v2 =	vld [tilespmem:$0x7C00]  }
0x12a: {  	v4 =	vld [tilespmem:$0x7C80]  }
0x12b: {  	v5 =	vld [tilespmem:$0x7D00]  }
0x12c: {  	v10 =	vld [tilespmem:$0x7D80]  }
0x12d: {  	v11 =	vld [tilespmem:$0x7E00]  }
0x12e: {  	v12 =	vld [tilespmem:$0x7E80]  }
0x12f: {  	v13 =	vld [tilespmem:$0x7F00]  }
0x130: {  	v14 =	vld [tilespmem:$0x7F80]  }
0x131: {  	v16 =	vld [tilespmem:$0x8000]  }
0x132: {  	v30 =	vld [tilespmem:$0x8080]  }
0x133: {  	v3 =	vld [tilespmem:$0x8100]  }
0x134: {  	v45 =	vld [tilespmem:$0x8180]  }
0x135: {  	v46 =	vld [tilespmem:$0x8200]  }
0x136: {  	v47 =	vld [tilespmem:$0x8280]  }
0x137: {  	v7 =	vld [tilespmem:$0x7B10]  }
0x138: {  	v9 =	vld [tilespmem:$0x7B90]  }
0x139: {  	v18 =	vld [tilespmem:$0x7C10]  }
0x13a: {  	v19 =	vld [tilespmem:$0x7C90]  }
0x13b: {  	v20 =	vld [tilespmem:$0x7D10]  }
0x13c: {  	v21 =	vld [tilespmem:$0x7D90]  }
0x13d: {  	v22 =	vld [tilespmem:$0x7E10]  }
0x13e: {  	v23 =	vld [tilespmem:$0x7E90]  }
0x13f: {  	v24 =	vld [tilespmem:$0x7F10]  }
0x140: {  	v25 =	vld [tilespmem:$0x7F90]  }
0x141: {  	v26 =	vld [tilespmem:$0x8010]  }
0x142: {  	v27 =	vld [tilespmem:$0x8090]  }
0x143: {  	v28 =	vld [tilespmem:$0x8110]  }
0x144: {  	v29 =	vld [tilespmem:$0x8190]  }
0x145: {  	v31 =	vld [tilespmem:$0x8210]  }
0x146: {  	v48 =	vld [tilespmem:$0x8290]  }
0x147: {  	v32 =	vld [tilespmem:$0x7B20]  }
0x148: {  	v33 =	vld [tilespmem:$0x7BA0]  }
0x149: {  	v34 =	vld [tilespmem:$0x7C20]  }
0x14a: {  	v35 =	vld [tilespmem:$0x7CA0]  }
0x14b: {  	v36 =	vld [tilespmem:$0x7D20]  }
0x14c: {  	v37 =	vld [tilespmem:$0x7DA0]  }
0x14d: {  	v38 =	vld [tilespmem:$0x7E20]  }
0x14e: {  	v39 =	vld [tilespmem:$0x7EA0]  }
0x14f: {  	v40 =	vld [tilespmem:$0x7F20]  }
0x150: {  	v41 =	vld [tilespmem:$0x7FA0]  }
0x151: {  	v42 =	vld [tilespmem:$0x8020]  }
0x152: {  	v43 =	vld [tilespmem:$0x80A0]  }
0x153: {  	v44 =	vld [tilespmem:$0x8120]  }
0x154: {  	v49 =	vld [tilespmem:$0x7BB0]  }
0x155: {  	v50 =	vld [tilespmem:$0x7C30]  }
0x156: {  	v51 =	vld [tilespmem:$0x7CB0]  }
0x157: {  	v52 =	vld [tilespmem:$0x7D30]  }
0x158: {  	v53 =	vld [tilespmem:$0x7DB0]  }
0x159: {  	v54 =	vld [tilespmem:$0x7E30]  }
0x15a: {  	v55 =	vld [tilespmem:$0x7EB0]  }
0x15b: {  	v56 =	vld [tilespmem:$0x7F30]  }
0x15c: {  	v57 =	vld [tilespmem:$0x7FB0]  }
0x15d: {  	v58 =	vld [tilespmem:$0x8030]  }
0x15e: {  	v59 =	vld [tilespmem:$0x80B0]  }
0x15f: {  	v60 =	vld [tilespmem:$0x8130]  }
0x160: {  	v61 =	vld [tilespmem:$0x81B0]  }
0x161: {  	v62 =	vld [tilespmem:$0x8230]  }
0x162: {  	v63 =	vld [tilespmem:$0x82B0]  }
0x163: {  	v6 =	vld [tilespmem:$0x7BC0]  }
0x164: {  	v8 =	vld [tilespmem:$0x7C40]  }
0x165: {  	v15 =	vld [tilespmem:$0x7CC0]  }
0x166: {  	v17 =	vld [tilespmem:$0x7D40]  }
0x167: {  	[tilespmem:$0x1FE30] =	vst v45;
	v45 =	vld [tilespmem:$0x81A0]  }
0x168: {  	[tilespmem:$0x1FE40] =	vst v46;
	v46 =	vld [tilespmem:$0x8220]  }
0x169: {  	[tilespmem:$0x1FE50] =	vst v47;
	v47 =	vld [tilespmem:$0x82A0];
	v0 =	vadd.f32 $0.0e+00, v0  }
0x16a: {  	[tilespmem:$0x1FE60] =	vst v48;
	v48 =	vld [tilespmem:$0x7B30];
	v7 =	vadd.f32 $0.0e+00, v7  }
0x16b: {  	[tilespmem:$0x1FE20] =	vst v3;
	v3 =	vld [tilespmem:$0x7B40];
	v0 =	vadd.f32 v1, v0;
	v1 =	vadd.f32 $0.0e+00, v32  }
0x16c: {  	v32 =	vld [tilespmem:$0x7DC0];
	v7 =	vadd.f32 v9, v7  }
0x16d: {  	v1 =	vadd.f32 v33, v1;
	v33 =	vld [tilespmem:$0x7EC0]  }
0x16e: {  	v0 =	vadd.f32 v2, v0;
	v2 =	vadd.f32 v18, v7;
	v18 =	vld [tilespmem:$0x7F40]  }
0x16f: {  	v7 =	vld [tilespmem:$0x8040]  }
0x170: {  	v9 =	vadd.f32 $0.0e+00, v48;
	v48 =	vld [tilespmem:$0x7E40]  }
0x171: {  	v0 =	vadd.f32 v4, v0;
	v4 =	vld [tilespmem:$0x8140]  }
0x172: {  	v1 =	vadd.f32 v34, v1;
	v34 =	vld [tilespmem:$0x81D0]  }
0x173: {  	v2 =	vadd.f32 v19, v2;
	v49 =	vadd.f32 v49, v9;
	v9 =	vld [tilespmem:$0x7FC0]  }
0x174: {  	v0 =	vadd.f32 v5, v0;
	v1 =	vadd.f32 v35, v1;
	v5 =	vld [tilespmem:$0x80C0]  }
0x175: {  	v19 =	vadd.f32 v20, v2;
	v2 =	vld [tilespmem:$0x81C0];
	v49 =	vadd.f32 v50, v49  }
0x176: {  	v3 =	vadd.f32 $0.0e+00, v3;
	v35 =	vld [tilespmem:$0x82D0];
	v0 =	vadd.f32 v10, v0  }
0x177: {  	v50 =	vadd.f32 v51, v49;
	v51 =	vadd.f32 v36, v1;
	v1 =	vld [tilespmem:$0x8240]  }
0x178: {  	v3 =	vadd.f32 v6, v3;
	v19 =	vadd.f32 v21, v19;
	v49 =	vld [tilespmem:$0x7B70]  }
0x179: {  	v11 =	vadd.f32 v11, v0;
	v0 =	vld [tilespmem:$0x82C0]  }
0x17a: {  	v3 =	vadd.f32 v8, v3;
	v19 =	vadd.f32 v22, v19;
	v22 =	vld [tilespmem:$0x7C50]  }
0x17b: {  	v20 =	vadd.f32 v52, v50;
	v50 =	vld [tilespmem:$0x1FE60]  }
0x17c: {  	v3 =	vadd.f32 v15, v3;
	v10 =	vadd.f32 v37, v51;
	v51 =	vld [tilespmem:$0x7BE0]  }
0x17d: {  	v52 =	vld [tilespmem:$0x7BF0]  }
0x17e: {  	v3 =	vadd.f32 v17, v3;
	v37 =	vld [tilespmem:$0x7EE0]  }
0x17f: {  	v11 =	vadd.f32 v12, v11;
	v12 =	vld [tilespmem:$0x7BD0];
	v19 =	vadd.f32 v23, v19  }
0x180: {  	v23 =	vld [tilespmem:$0x7D50];
	v20 =	vadd.f32 v53, v20;
	v10 =	vadd.f32 v38, v10  }
0x181: {  	v53 =	vld [tilespmem:$0x7B50];
	v3 =	vadd.f32 v32, v3;
	v11 =	vadd.f32 v13, v11  }
0x182: {  	v38 =	vld [tilespmem:$0x7EF0];
	v19 =	vadd.f32 v24, v19;
	v36 =	vadd.f32 $0.0e+00, v49  }
0x183: {  	v13 =	vld [tilespmem:$0x7CD0];
	v20 =	vadd.f32 v54, v20;
	v10 =	vadd.f32 v39, v10  }
0x184: {  	v24 =	vld [tilespmem:$0x7E50];
	v3 =	vadd.f32 v48, v3;
	v11 =	vadd.f32 v14, v11  }
0x185: {  	v49 =	vld [tilespmem:$0x8170];
	v19 =	vadd.f32 v25, v19;
	v10 =	vadd.f32 v40, v10  }
0x186: {  	v39 =	vld [tilespmem:$0x7F60];
	v20 =	vadd.f32 v55, v20;
	v3 =	vadd.f32 v33, v3  }
0x187: {  	v14 =	vld [tilespmem:$0x7DD0];
	v11 =	vadd.f32 v16, v11;
	v10 =	vadd.f32 v41, v10  }
0x188: {  	v25 =	vld [tilespmem:$0x7F50];
	v19 =	vadd.f32 v26, v19;
	v20 =	vadd.f32 v56, v20  }
0x189: {  	v55 =	vld [tilespmem:$0x7C70];
	v21 =	vadd.f32 $0.0e+00, v53;
	v10 =	vadd.f32 v42, v10  }
0x18a: {  	v40 =	vld [tilespmem:$0x7F70];
	v3 =	vadd.f32 v18, v3;
	v20 =	vadd.f32 v57, v20  }
0x18b: {  	v16 =	vld [tilespmem:$0x7ED0];
	v11 =	vadd.f32 v30, v11;
	v10 =	vadd.f32 v43, v10  }
0x18c: {  	v41 =	vld [tilespmem:$0x1FE20];
	v19 =	vadd.f32 v27, v19;
	v20 =	vadd.f32 v58, v20  }
0x18d: {  	v12 =	vadd.f32 v12, v21;
	v10 =	vadd.f32 v44, v10;
	v44 =	vld [tilespmem:$0x7B60]  }
0x18e: {  	v26 =	vld [tilespmem:$0x7FD0];
	v3 =	vadd.f32 v9, v3;
	v20 =	vadd.f32 v59, v20  }
0x18f: {  	v53 =	vld [tilespmem:$0x7C60];
	v19 =	vadd.f32 v28, v19;
	v12 =	vadd.f32 v22, v12  }
0x190: {  	v56 =	vld [tilespmem:$0x7CE0];
	v58 =	vadd.f32 v52, v36;
	v20 =	vadd.f32 v60, v20  }
0x191: {  	v42 =	vld [tilespmem:$0x1FE30];
	v3 =	vadd.f32 v7, v3;
	v11 =	vadd.f32 v41, v11  }
0x192: {  	v57 =	vld [tilespmem:$0x7CF0];
	v20 =	vadd.f32 v61, v20;
	v54 =	vadd.f32 $0.0e+00, v44  }
0x193: {  	v27 =	vld [tilespmem:$0x8050];
	v19 =	vadd.f32 v29, v19;
	v12 =	vadd.f32 v13, v12  }
0x194: {  	v60 =	vld [tilespmem:$0x7D70];
	v20 =	vadd.f32 v62, v20;
	v6 =	vadd.f32 v51, v54  }
0x195: {  	v59 =	vld [tilespmem:$0x7D60];
	v3 =	vadd.f32 v5, v3;
	v61 =	vadd.f32 v55, v58  }
0x196: {  	v20 =	vadd.f32 v63, v20;
	v63 =	vld [tilespmem:$0x7DF0];
	v6 =	vadd.f32 v53, v6  }
0x197: {  	v11 =	vadd.f32 v42, v11;
	v62 =	vld [tilespmem:$0x7DE0];
	v8 =	vadd.f32 v57, v61  }
0x198: {  	v36 =	vld [tilespmem:$0x7E70];
	v12 =	vadd.f32 v23, v12;
	v6 =	vadd.f32 v56, v6  }
0x199: {  	v19 =	vadd.f32 v31, v19;
	v31 =	vld [tilespmem:$0x7E60];
	v8 =	vadd.f32 v60, v8  }
0x19a: {  	v43 =	vld [tilespmem:$0x1FE40];
	v12 =	vadd.f32 v14, v12;
	v6 =	vadd.f32 v59, v6  }
0x19b: {  	v30 =	vld [tilespmem:$0x80D0];
	v10 =	vadd.f32 v45, v10;
	v8 =	vadd.f32 v63, v8  }
0x19c: {  	v28 =	vld [tilespmem:$0x8150];
	v12 =	vadd.f32 v24, v12;
	v6 =	vadd.f32 v62, v6  }
0x19d: {  	v42 =	vld [tilespmem:$0x7FF0];
	v3 =	vadd.f32 v4, v3;
	v8 =	vadd.f32 v36, v8  }
0x19e: {  	v45 =	vld [tilespmem:$0x1FE50];
	v12 =	vadd.f32 v16, v12;
	v6 =	vadd.f32 v31, v6  }
0x19f: {  	v41 =	vld [tilespmem:$0x7FE0];
	v11 =	vadd.f32 v43, v11;
	v8 =	vadd.f32 v38, v8  }
0x1a0: {  	v44 =	vld [tilespmem:$0x8070];
	v12 =	vadd.f32 v25, v12;
	v6 =	vadd.f32 v37, v6  }
0x1a1: {  	v43 =	vld [tilespmem:$0x8060];
	v10 =	vadd.f32 v46, v10;
	v8 =	vadd.f32 v40, v8  }
0x1a2: {  	v46 =	vld [tilespmem:$0x80F0];
	v12 =	vadd.f32 v26, v12;
	v6 =	vadd.f32 v39, v6  }
0x1a3: {  	v11 =	vadd.f32 v45, v11;
	v45 =	vld [tilespmem:$0x80E0];
	v8 =	vadd.f32 v42, v8  }
0x1a4: {  	v52 =	vld [tilespmem:$0x81F0];
	v12 =	vadd.f32 v27, v12;
	v6 =	vadd.f32 v41, v6  }
0x1a5: {  	v10 =	vadd.f32 v47, v10;
	v47 =	vld [tilespmem:$0x8160];
	v8 =	vadd.f32 v44, v8  }
0x1a6: {  	v29 =	vld [tilespmem:$0x8250];
	v12 =	vadd.f32 v30, v12;
	v48 =	vadd.f32 v43, v6  }
0x1a7: {  	v19 =	vadd.f32 v50, v19;
	v50 =	vld [tilespmem:$0x81E0];
	v7 =	vadd.f32 v46, v8  }
0x1a8: {  	v55 =	vld [tilespmem:$0x8270];
	v12 =	vadd.f32 v28, v12;
	v51 =	vadd.f32 v45, v48  }
0x1a9: {  	v2 =	vadd.f32 v2, v3;
	v53 =	vld [tilespmem:$0x8260];
	v6 =	vadd.f32 v49, v7  }
0x1aa: {  	v58 =	vld [tilespmem:$0x82F0];
	v12 =	vadd.f32 v34, v12;
	v54 =	vadd.f32 v47, v51  }
0x1ab: {  	[tilespmem:$0x7710] =	vst v19;
	v1 =	vadd.f32 v1, v2;
	v56 =	vld [tilespmem:$0x82E0];
	v5 =	vadd.f32 v52, v6  }
0x1ac: {  	[tilespmem:$0x7720] =	vst v10;
	v59 =	vadd.f32 v29, v12;
	v57 =	vadd.f32 v50, v54  }
0x1ad: {  	v0 =	vadd.f32 v0, v1;
	[tilespmem:$0x7700] =	vst v11;
	v4 =	vadd.f32 v55, v5  }
0x1ae: {  	[tilespmem:$0x7730] =	vst v20;
	v61 =	vadd.f32 v35, v59;
	v60 =	vadd.f32 v53, v57  }
0x1af: {  	[tilespmem:$0x7740] =	vst v0;
	v63 =	vadd.f32 v58, v4  }
0x1b0: {  	[tilespmem:$0x7750] =	vst v61;
	v62 =	vadd.f32 v56, v60  }
0x1b1: {  	[tilespmem:$0x7770] =	vst v63  }
0x1b2: {  	s31 =	simm.s32 $0x0;
	[tilespmem:$0x7760] =	vst v62  }
0x1b3: {  	[hbm4b:s2+s31] =	stream.linear.scatter [tilespmem:s5], [sflag:$0x2], $0x80, $0x38;
	[tilespmem:$0x8700] =	vst v63  }
0x1b4: {  	_ =	swait.ge [sflag:s4], $0x80  }
0x1b5: {  	[sflag:s4] =	ssyncset.done $0x0  }
0x1b6: {  	[sflag:s4] =	ssyncadd.s32 $0xFFFFFF80  }
.LBB2_13:
0x1b7: {  	_ =	sfence.sel $0x180000  }
0x1b8: {  	[bflag:$0x0] =	sbarrier.arrive $0xFFFF  }
0x1b9: {  	p0 =	sne.s32 s1, $0x0;
	_ =	strace $0x90000047  }
0x1ba: {  	s0 =	sadd.s32 @!p0 $0x100000, s0;
	[bflag:$0x2] =	sbarrier.arrive $0xFFFF  }
0x1bb: {  	[sflag:s0] =	ssyncadd.tile.s32 @!p0 $0x1;
	_ =	shalt  }
.Lfunc_end2:
_tile_overlayer_lowered:
.L_overlay_start_2:
0x1bc: {  	(tag) =	ssettag $0x2  }
0x1bd: {  	s0 =	rddreg [dreg:$0x0];
	s2 =	stileid.u32  }
0x1be: {  	s1 =	rddreg [dreg:$0x1];
	p0 =	sne.s32 s2, $0x0  }
0x1bf: {  	s3 =	rddreg [dreg:$0x2];
	[bflag:$0x3] =	sbarrier.arrive $0xFFFF;
	s2 =	simm.s32 @!p0 $0x1C02  }
0x1c0: {  	[timem:s3], [sflag:s2] =	dma.local @!p0 [hbm:s0], s1  }
0x1c1: {  	s0 =	simm.s32 @!p0 $0x2  }
0x1c2: {  	_ =	swait.ge @!p0 [sflag:s0], s1  }
0x1c3: {  	s1 =	ssub.s32 @!p0 $0x0, s1;
	[sflag:s0] =	ssyncset.done @!p0 $0x0  }
0x1c4: {  	[sflag:s0] =	ssyncadd.s32 @!p0 s1  }
0x1c5: {  	[bflag:$0x3] =	sbarrier.arrive $0xFFFF  }
0x1c6: {  	_ =	shalt  }

</sc_bundles>
